<compile_context>
chip_gen: v7x
topology: tpu7x:2x2x1
jax: 0.10.2.dev20260603
libtpu: 0.0.44.dev20260713+nightly
codegen_flags: <defaults>
</compile_context>

<pallas_src>
import functools

import jax
import jax.numpy as jnp
from jax import lax
from jax.experimental import pallas as pl
from jax.experimental.pallas import tpu as pltpu
from jax.experimental.pallas import tpu_sc as plsc

MARGIN = 0.25
GAMMA = 256.0

_NC = 2
_NS = 16
_NW = _NC * _NS
_CHUNK = 32000


def _transform(x):
    cos = jnp.minimum(jnp.maximum(x, -1.0), 1.0)
    alpha_n = jnp.maximum(cos + MARGIN, 0.0)
    return alpha_n * (cos - MARGIN) * GAMMA


def _make_sc_kernel(b, c):
    elems_per_w = (b * c) // _NW
    nchunk = elems_per_w // _CHUNK
    rows_per_w = b // _NW
    mesh = plsc.VectorSubcoreMesh(core_axis_name="c", subcore_axis_name="s")

    @functools.partial(
        pl.kernel,
        mesh=mesh,
        out_type=jax.ShapeDtypeStruct((b * c,), jnp.float32),
        scratch_types=[
            pltpu.VMEM((2, _CHUNK), jnp.float32),
            pltpu.VMEM((2, _CHUNK), jnp.float32),
            pltpu.VMEM((rows_per_w,), jnp.int32),
            pltpu.VMEM((rows_per_w,), jnp.int32),
            pltpu.VMEM((rows_per_w,), jnp.float32),
            pltpu.SemaphoreType.DMA((2,)),
            pltpu.SemaphoreType.DMA((2,)),
            pltpu.SemaphoreType.DMA,
        ],
    )
    def sc_kernel(cos_hbm, lab_hbm, out_hbm, inbuf, outbuf, labv, idxv, valv,
                  insem, outsem, fsem):
        wid = lax.axis_index("s") * _NC + lax.axis_index("c")
        base = wid * elems_per_w

        def start_in(k, slot):
            pltpu.make_async_copy(
                cos_hbm.at[pl.ds(base + k * _CHUNK, _CHUNK)],
                inbuf.at[slot],
                insem.at[slot],
            ).start()

        def wait_in(k, slot):
            pltpu.make_async_copy(
                cos_hbm.at[pl.ds(base + k * _CHUNK, _CHUNK)],
                inbuf.at[slot],
                insem.at[slot],
            ).wait()

        def start_out(k, slot):
            pltpu.make_async_copy(
                inbuf.at[slot],
                out_hbm.at[pl.ds(base + k * _CHUNK, _CHUNK)],
                outsem.at[slot],
            ).start()

        def wait_out(k, slot):
            pltpu.make_async_copy(
                inbuf.at[slot],
                out_hbm.at[pl.ds(base + k * _CHUNK, _CHUNK)],
                outsem.at[slot],
            ).wait()

        start_in(0, 0)
        start_in(1, 1)

        def chunk_body(k2, _):
            for slot in range(2):
                k = k2 * 2 + slot
                wait_in(k, slot)

                @pl.when(k2 > 0)
                def _():
                    wait_out(k - 2, slot)

                start_out(k, slot)

                @pl.when(k2 * 2 + slot + 2 < nchunk)
                def _():
                    start_in(k + 2, slot)
            return _

        lax.fori_loop(0, nchunk // 2, chunk_body, None)
        wait_out(nchunk - 2, 0)
        wait_out(nchunk - 1, 1)

        pltpu.sync_copy(lab_hbm.at[pl.ds(wid * rows_per_w, rows_per_w)], labv)
        for j in range(rows_per_w // 16):
            rows = lax.iota(jnp.int32, 16) + (wid * rows_per_w + j * 16)
            idxv[pl.ds(j * 16, 16)] = rows * c + labv[pl.ds(j * 16, 16)]
        pltpu.async_copy(cos_hbm.at[idxv], valv, fsem).wait()
        for j in range(rows_per_w // 16):
            g = valv[pl.ds(j * 16, 16)]
            valv[pl.ds(j * 16, 16)] = (
                jnp.minimum(jnp.maximum(g, -1.0), 1.0) * GAMMA
            )
        pltpu.async_copy(valv, out_hbm.at[idxv], fsem).wait()

    return sc_kernel


def kernel(cos_theta, labels):
    b, c = cos_theta.shape
    out_flat = _make_sc_kernel(b, c)(
        cos_theta.reshape(b * c), labels.astype(jnp.int32)
    )
    return out_flat.reshape(b, c)

# --- scband reference (transcript-rebuilt; emitter-appended) ---
"""Pipeline reference for scband-circle-loss-32023276158997 (READ-ONLY COPY).

The authoritative reference and input builder live on the scoring server;
editing this copy changes nothing except your own understanding.
"""

import jax, jax.numpy as jnp
import numpy as np

MARGIN = 0.25
GAMMA = 256
O_P = 1.0 + MARGIN
O_N = -MARGIN
DELTA_P = 1.0 - MARGIN
DELTA_N = MARGIN
B = 1024
C = 100000


def setup_inputs(seed: int = 0) -> dict:
    key = jax.random.key(seed)
    k1, k2 = jax.random.split(key)
    cos_theta = jax.random.normal(k1, (B, C), dtype=jnp.float32)
    labels = jax.random.randint(k2, (B,), 0, C).astype(jnp.int64)
    return {"cos_theta": cos_theta, "labels": labels}


def reference(cos_theta, labels):
    # clamp to [-1, 1]
    cos = jnp.clip(cos_theta, -1.0, 1.0)
    b, c = cos.shape
    valid = labels != -1
    rows = jnp.arange(b)
    # index_neg: ones everywhere, zeroed at (i, labels[i]) for valid rows.
    # For invalid rows (label == -1) the write targets the last column with
    # value 1.0, which leaves it unchanged (matches torch: no write at all).
    index_neg = jnp.ones((b, c), dtype=jnp.float32).at[rows, labels].set(
        jnp.where(valid, 0.0, 1.0)
    )
    mask_neg = index_neg.astype(bool)
    cos_d = jax.lax.stop_gradient(cos)
    alpha_p = jnp.maximum(O_P - cos_d, 0.0)  # computed as in torch (unused in output, see note)
    alpha_n = jnp.maximum(cos_d - O_N, 0.0)
    logit_p = alpha_p * (cos - DELTA_P)  # torch chained-index assignment is a no-op copy write
    logit_n = alpha_n * (cos - DELTA_N)
    # Faithful to torch execution: output[valid][index_pos] = logit_p writes into
    # a temporary copy (advanced-indexing) and is discarded; only the negative
    # mask assignment mutates output in place.
    output = jnp.where(mask_neg, logit_n, cos)
    output = output * GAMMA
    return output

if __name__ == "__main__":
    import jax
    _d = setup_inputs()
    print(jax.jit(kernel)(*tuple(_d.values())))

</pallas_src>

<mosaic_0001>
#map = affine_map<(d0, d1) -> (0)>
module attributes {stable_mosaic.version = 14 : i64} {
  func.func @sc_kernel(%arg0: i32, %arg1: i32, %arg2: memref<102400000xf32, #tpu.memory_space<hbm>>, %arg3: memref<1024xi32, #tpu.memory_space<hbm>>, %arg4: memref<102400000xf32, #tpu.memory_space<hbm>>, %arg5: memref<2x32000xf32, #tpu.memory_space<vmem>>, %arg6: memref<2x32000xf32, #tpu.memory_space<vmem>>, %arg7: memref<32xi32, #tpu.memory_space<vmem>>, %arg8: memref<32xi32, #tpu.memory_space<vmem>>, %arg9: memref<32xf32, #tpu.memory_space<vmem>>, %arg10: memref<2x!tpu.dma_semaphore, #tpu.memory_space<semaphore_mem>>, %arg11: memref<2x!tpu.dma_semaphore, #tpu.memory_space<semaphore_mem>>, %arg12: memref<!tpu.dma_semaphore, #tpu.memory_space<semaphore_mem>>) attributes {dimension_semantics = [#tpu.dimension_semantics<core_parallel>, #tpu.dimension_semantics<subcore_parallel>], iteration_bounds = array<i64: 2, 16>, scalar_prefetch = 0 : i64, scratch_operands = 8 : i64, tpu.core_type = #tpu.core_type<sc_vector_subcore>, window_params = [{transform_indices = #map}, {transform_indices = #map}, {transform_indices = #map}]} {
    %mul3A = arith.constant 2 : i32
    %mul3A_0 = arith.muli %arg1, %mul3A : i32
    %add3A = arith.addi %mul3A_0, %arg0 : i32
    %mul3A_1 = arith.constant 3200000 : i32
    %mul3A_2 = arith.muli %add3A, %mul3A_1 : i32
    %add3A_3 = arith.constant 0 : i32
    %add3A_4 = arith.addi %mul3A_2, %add3A_3 : i32
    %dma_start3A = arith.constant 0 : i32
    %dma_start3A_5 = arith.constant 0 : i32
    %dma_start3A_6 = arith.constant 0 : i32
    %dma_start3A_7 = tpu.memref_slice %arg5[%dma_start3A, %dma_start3A_6] : memref<2x32000xf32, #tpu.memory_space<vmem>> -> memref<1x32000xf32, #tpu.memory_space<vmem>>
    %dma_start3A_8 = tpu.memref_squeeze %dma_start3A_7 : memref<1x32000xf32, #tpu.memory_space<vmem>> -> memref<32000xf32, #tpu.memory_space<vmem>>
    %dma_start3A_9 = tpu.memref_slice %arg2[%add3A_4] : memref<102400000xf32, #tpu.memory_space<hbm>> -> memref<32000xf32, #tpu.memory_space<hbm>>
    %dma_start3A_10 = tpu.memref_slice %arg10[%dma_start3A_5] : memref<2x!tpu.dma_semaphore, #tpu.memory_space<semaphore_mem>> -> memref<1x!tpu.dma_semaphore, #tpu.memory_space<semaphore_mem>>
    %dma_start3A_11 = tpu.memref_squeeze %dma_start3A_10 : memref<1x!tpu.dma_semaphore, #tpu.memory_space<semaphore_mem>> -> memref<!tpu.dma_semaphore, #tpu.memory_space<semaphore_mem>>
    %dma_start3A_12 = arith.constant 0 : i32
    %dma_start3A_13 = tpu.memref_slice %arg5[%dma_start3A, %dma_start3A_12] : memref<2x32000xf32, #tpu.memory_space<vmem>> -> memref<1x32000xf32, #tpu.memory_space<vmem>>
    %dma_start3A_14 = tpu.memref_squeeze %dma_start3A_13 : memref<1x32000xf32, #tpu.memory_space<vmem>> -> memref<32000xf32, #tpu.memory_space<vmem>>
    %dma_start3A_15 = tpu.memref_slice %arg2[%add3A_4] : memref<102400000xf32, #tpu.memory_space<hbm>> -> memref<32000xf32, #tpu.memory_space<hbm>>
    tpu.enqueue_dma source(%dma_start3A_15 : memref<32000xf32, #tpu.memory_space<hbm>>) target(%dma_start3A_14 : memref<32000xf32, #tpu.memory_space<vmem>>) target_semaphore(%dma_start3A_11 : memref<!tpu.dma_semaphore, #tpu.memory_space<semaphore_mem>>)
    %add3A_16 = arith.constant 32000 : i32
    %add3A_17 = arith.addi %mul3A_2, %add3A_16 : i32
    %dma_start3A_18 = arith.constant 1 : i32
    %dma_start3A_19 = arith.constant 1 : i32
    %dma_start3A_20 = arith.constant 0 : i32
    %dma_start3A_21 = tpu.memref_slice %arg5[%dma_start3A_18, %dma_start3A_20] : memref<2x32000xf32, #tpu.memory_space<vmem>> -> memref<1x32000xf32, #tpu.memory_space<vmem>>
    %dma_start3A_22 = tpu.memref_squeeze %dma_start3A_21 : memref<1x32000xf32, #tpu.memory_space<vmem>> -> memref<32000xf32, #tpu.memory_space<vmem>>
    %dma_start3A_23 = tpu.memref_slice %arg2[%add3A_17] : memref<102400000xf32, #tpu.memory_space<hbm>> -> memref<32000xf32, #tpu.memory_space<hbm>>
    %dma_start3A_24 = tpu.memref_slice %arg10[%dma_start3A_19] : memref<2x!tpu.dma_semaphore, #tpu.memory_space<semaphore_mem>> -> memref<1x!tpu.dma_semaphore, #tpu.memory_space<semaphore_mem>>
    %dma_start3A_25 = tpu.memref_squeeze %dma_start3A_24 : memref<1x!tpu.dma_semaphore, #tpu.memory_space<semaphore_mem>> -> memref<!tpu.dma_semaphore, #tpu.memory_space<semaphore_mem>>
    %dma_start3A_26 = arith.constant 0 : i32
    %dma_start3A_27 = tpu.memref_slice %arg5[%dma_start3A_18, %dma_start3A_26] : memref<2x32000xf32, #tpu.memory_space<vmem>> -> memref<1x32000xf32, #tpu.memory_space<vmem>>
    %dma_start3A_28 = tpu.memref_squeeze %dma_start3A_27 : memref<1x32000xf32, #tpu.memory_space<vmem>> -> memref<32000xf32, #tpu.memory_space<vmem>>
    %dma_start3A_29 = tpu.memref_slice %arg2[%add3A_17] : memref<102400000xf32, #tpu.memory_space<hbm>> -> memref<32000xf32, #tpu.memory_space<hbm>>
    tpu.enqueue_dma source(%dma_start3A_29 : memref<32000xf32, #tpu.memory_space<hbm>>) target(%dma_start3A_28 : memref<32000xf32, #tpu.memory_space<vmem>>) target_semaphore(%dma_start3A_25 : memref<!tpu.dma_semaphore, #tpu.memory_space<semaphore_mem>>)
    %scan3A = arith.constant 0 : i32
    %scan3A_30 = arith.constant 50 : i32
    %scan3A_31 = arith.addi %scan3A, %scan3A_30 : i32
    %scan3A_32 = arith.constant 1 : i32
    scf.for %scan3A_134 = %scan3A to %scan3A_31 step %scan3A_32  : i32 {
      %mul3A_135 = arith.constant 2 : i32
      %mul3A_136 = arith.muli %scan3A_134, %mul3A_135 : i32
      %add3A_137 = arith.constant 0 : i32
      %add3A_138 = arith.addi %mul3A_136, %add3A_137 : i32
      %mul3A_139 = arith.constant 32000 : i32
      %mul3A_140 = arith.muli %add3A_138, %mul3A_139 : i32
      %add3A_141 = arith.addi %mul3A_2, %mul3A_140 : i32
      %dma_wait3A_142 = arith.constant 0 : i32
      %dma_wait3A_143 = arith.constant 0 : i32
      %dma_wait3A_144 = arith.constant 0 : i32
      %dma_wait3A_145 = tpu.memref_slice %arg5[%dma_wait3A_142, %dma_wait3A_144] : memref<2x32000xf32, #tpu.memory_space<vmem>> -> memref<1x32000xf32, #tpu.memory_space<vmem>>
      %dma_wait3A_146 = tpu.memref_squeeze %dma_wait3A_145 : memref<1x32000xf32, #tpu.memory_space<vmem>> -> memref<32000xf32, #tpu.memory_space<vmem>>
      %dma_wait3A_147 = tpu.memref_slice %arg2[%add3A_141] : memref<102400000xf32, #tpu.memory_space<hbm>> -> memref<32000xf32, #tpu.memory_space<hbm>>
      %dma_wait3A_148 = tpu.memref_slice %arg10[%dma_wait3A_143] : memref<2x!tpu.dma_semaphore, #tpu.memory_space<semaphore_mem>> -> memref<1x!tpu.dma_semaphore, #tpu.memory_space<semaphore_mem>>
      %dma_wait3A_149 = tpu.memref_squeeze %dma_wait3A_148 : memref<1x!tpu.dma_semaphore, #tpu.memory_space<semaphore_mem>> -> memref<!tpu.dma_semaphore, #tpu.memory_space<semaphore_mem>>
      %dma_wait3A_150 = arith.constant 0 : i32
      %dma_wait3A_151 = tpu.memref_slice %arg5[%dma_wait3A_142, %dma_wait3A_150] : memref<2x32000xf32, #tpu.memory_space<vmem>> -> memref<1x32000xf32, #tpu.memory_space<vmem>>
      %dma_wait3A_152 = tpu.memref_squeeze %dma_wait3A_151 : memref<1x32000xf32, #tpu.memory_space<vmem>> -> memref<32000xf32, #tpu.memory_space<vmem>>
      %dma_wait3A_153 = tpu.memref_slice %arg2[%add3A_141] : memref<102400000xf32, #tpu.memory_space<hbm>> -> memref<32000xf32, #tpu.memory_space<hbm>>
      tpu.wait_dma2 semaphore(%dma_wait3A_149 : memref<!tpu.dma_semaphore, #tpu.memory_space<semaphore_mem>>) src(%dma_wait3A_153 : memref<32000xf32, #tpu.memory_space<hbm>>) dst(%dma_wait3A_152 : memref<32000xf32, #tpu.memory_space<vmem>>)
      %gt3A = arith.constant 0 : i32
      %gt3A_154 = arith.cmpi sgt, %scan3A_134, %gt3A : i32
      %convert_element_type3A = arith.extui %gt3A_154 : i1 to i32
      %cond3A = arith.constant 0 : i32
      %cond3A_155 = arith.cmpi ne, %convert_element_type3A, %cond3A : i32
      scf.if %cond3A_155 {
        %sub3A = arith.constant 2 : i32
        %sub3A_231 = arith.subi %add3A_138, %sub3A : i32
        %mul3A_232 = arith.constant 32000 : i32
        %mul3A_233 = arith.muli %sub3A_231, %mul3A_232 : i32
        %add3A_234 = arith.addi %mul3A_2, %mul3A_233 : i32
        %dma_wait3A_235 = arith.constant 0 : i32
        %dma_wait3A_236 = arith.constant 0 : i32
        %dma_wait3A_237 = arith.constant 0 : i32
        %dma_wait3A_238 = tpu.memref_slice %arg5[%dma_wait3A_235, %dma_wait3A_237] : memref<2x32000xf32, #tpu.memory_space<vmem>> -> memref<1x32000xf32, #tpu.memory_space<vmem>>
        %dma_wait3A_239 = tpu.memref_squeeze %dma_wait3A_238 : memref<1x32000xf32, #tpu.memory_space<vmem>> -> memref<32000xf32, #tpu.memory_space<vmem>>
        %dma_wait3A_240 = tpu.memref_slice %arg4[%add3A_234] : memref<102400000xf32, #tpu.memory_space<hbm>> -> memref<32000xf32, #tpu.memory_space<hbm>>
        %dma_wait3A_241 = tpu.memref_slice %arg11[%dma_wait3A_236] : memref<2x!tpu.dma_semaphore, #tpu.memory_space<semaphore_mem>> -> memref<1x!tpu.dma_semaphore, #tpu.memory_space<semaphore_mem>>
        %dma_wait3A_242 = tpu.memref_squeeze %dma_wait3A_241 : memref<1x!tpu.dma_semaphore, #tpu.memory_space<semaphore_mem>> -> memref<!tpu.dma_semaphore, #tpu.memory_space<semaphore_mem>>
        %dma_wait3A_243 = tpu.memref_slice %arg4[%add3A_234] : memref<102400000xf32, #tpu.memory_space<hbm>> -> memref<32000xf32, #tpu.memory_space<hbm>>
        %dma_wait3A_244 = arith.constant 0 : i32
        %dma_wait3A_245 = tpu.memref_slice %arg5[%dma_wait3A_235, %dma_wait3A_244] : memref<2x32000xf32, #tpu.memory_space<vmem>> -> memref<1x32000xf32, #tpu.memory_space<vmem>>
        %dma_wait3A_246 = tpu.memref_squeeze %dma_wait3A_245 : memref<1x32000xf32, #tpu.memory_space<vmem>> -> memref<32000xf32, #tpu.memory_space<vmem>>
        tpu.wait_dma2 semaphore(%dma_wait3A_242 : memref<!tpu.dma_semaphore, #tpu.memory_space<semaphore_mem>>) src(%dma_wait3A_246 : memref<32000xf32, #tpu.memory_space<vmem>>) dst(%dma_wait3A_243 : memref<32000xf32, #tpu.memory_space<hbm>>)
      } else {
      }
      %mul3A_156 = arith.constant 32000 : i32
      %mul3A_157 = arith.muli %add3A_138, %mul3A_156 : i32
      %add3A_158 = arith.addi %mul3A_2, %mul3A_157 : i32
      %dma_start3A_159 = arith.constant 0 : i32
      %dma_start3A_160 = arith.constant 0 : i32
      %dma_start3A_161 = arith.constant 0 : i32
      %dma_start3A_162 = tpu.memref_slice %arg5[%dma_start3A_159, %dma_start3A_161] : memref<2x32000xf32, #tpu.memory_space<vmem>> -> memref<1x32000xf32, #tpu.memory_space<vmem>>
      %dma_start3A_163 = tpu.memref_squeeze %dma_start3A_162 : memref<1x32000xf32, #tpu.memory_space<vmem>> -> memref<32000xf32, #tpu.memory_space<vmem>>
      %dma_start3A_164 = tpu.memref_slice %arg4[%add3A_158] : memref<102400000xf32, #tpu.memory_space<hbm>> -> memref<32000xf32, #tpu.memory_space<hbm>>
      %dma_start3A_165 = tpu.memref_slice %arg11[%dma_start3A_160] : memref<2x!tpu.dma_semaphore, #tpu.memory_space<semaphore_mem>> -> memref<1x!tpu.dma_semaphore, #tpu.memory_space<semaphore_mem>>
      %dma_start3A_166 = tpu.memref_squeeze %dma_start3A_165 : memref<1x!tpu.dma_semaphore, #tpu.memory_space<semaphore_mem>> -> memref<!tpu.dma_semaphore, #tpu.memory_space<semaphore_mem>>
      %dma_start3A_167 = tpu.memref_slice %arg4[%add3A_158] : memref<102400000xf32, #tpu.memory_space<hbm>> -> memref<32000xf32, #tpu.memory_space<hbm>>
      %dma_start3A_168 = arith.constant 0 : i32
      %dma_start3A_169 = tpu.memref_slice %arg5[%dma_start3A_159, %dma_start3A_168] : memref<2x32000xf32, #tpu.memory_space<vmem>> -> memref<1x32000xf32, #tpu.memory_space<vmem>>
      %dma_start3A_170 = tpu.memref_squeeze %dma_start3A_169 : memref<1x32000xf32, #tpu.memory_space<vmem>> -> memref<32000xf32, #tpu.memory_space<vmem>>
      tpu.enqueue_dma source(%dma_start3A_170 : memref<32000xf32, #tpu.memory_space<vmem>>) target(%dma_start3A_167 : memref<32000xf32, #tpu.memory_space<hbm>>) target_semaphore(%dma_start3A_166 : memref<!tpu.dma_semaphore, #tpu.memory_space<semaphore_mem>>)
      %mul3A_171 = arith.constant 2 : i32
      %mul3A_172 = arith.muli %scan3A_134, %mul3A_171 : i32
      %add3A_173 = arith.constant 0 : i32
      %add3A_174 = arith.addi %mul3A_172, %add3A_173 : i32
      %add3A_175 = arith.constant 2 : i32
      %add3A_176 = arith.addi %add3A_174, %add3A_175 : i32
      %lt3A = arith.constant 100 : i32
      %lt3A_177 = arith.cmpi slt, %add3A_176, %lt3A : i32
      %convert_element_type3A_178 = arith.extui %lt3A_177 : i1 to i32
      %cond3A_179 = arith.constant 0 : i32
      %cond3A_180 = arith.cmpi ne, %convert_element_type3A_178, %cond3A_179 : i32
      scf.if %cond3A_180 {
        %add3A_231 = arith.constant 2 : i32
        %add3A_232 = arith.addi %add3A_138, %add3A_231 : i32
        %mul3A_233 = arith.constant 32000 : i32
        %mul3A_234 = arith.muli %add3A_232, %mul3A_233 : i32
        %add3A_235 = arith.addi %mul3A_2, %mul3A_234 : i32
        %dma_start3A_236 = arith.constant 0 : i32
        %dma_start3A_237 = arith.constant 0 : i32
        %dma_start3A_238 = arith.constant 0 : i32
        %dma_start3A_239 = tpu.memref_slice %arg5[%dma_start3A_236, %dma_start3A_238] : memref<2x32000xf32, #tpu.memory_space<vmem>> -> memref<1x32000xf32, #tpu.memory_space<vmem>>
        %dma_start3A_240 = tpu.memref_squeeze %dma_start3A_239 : memref<1x32000xf32, #tpu.memory_space<vmem>> -> memref<32000xf32, #tpu.memory_space<vmem>>
        %dma_start3A_241 = tpu.memref_slice %arg2[%add3A_235] : memref<102400000xf32, #tpu.memory_space<hbm>> -> memref<32000xf32, #tpu.memory_space<hbm>>
        %dma_start3A_242 = tpu.memref_slice %arg10[%dma_start3A_237] : memref<2x!tpu.dma_semaphore, #tpu.memory_space<semaphore_mem>> -> memref<1x!tpu.dma_semaphore, #tpu.memory_space<semaphore_mem>>
        %dma_start3A_243 = tpu.memref_squeeze %dma_start3A_242 : memref<1x!tpu.dma_semaphore, #tpu.memory_space<semaphore_mem>> -> memref<!tpu.dma_semaphore, #tpu.memory_space<semaphore_mem>>
        %dma_start3A_244 = arith.constant 0 : i32
        %dma_start3A_245 = tpu.memref_slice %arg5[%dma_start3A_236, %dma_start3A_244] : memref<2x32000xf32, #tpu.memory_space<vmem>> -> memref<1x32000xf32, #tpu.memory_space<vmem>>
        %dma_start3A_246 = tpu.memref_squeeze %dma_start3A_245 : memref<1x32000xf32, #tpu.memory_space<vmem>> -> memref<32000xf32, #tpu.memory_space<vmem>>
        %dma_start3A_247 = tpu.memref_slice %arg2[%add3A_235] : memref<102400000xf32, #tpu.memory_space<hbm>> -> memref<32000xf32, #tpu.memory_space<hbm>>
        tpu.enqueue_dma source(%dma_start3A_247 : memref<32000xf32, #tpu.memory_space<hbm>>) target(%dma_start3A_246 : memref<32000xf32, #tpu.memory_space<vmem>>) target_semaphore(%dma_start3A_243 : memref<!tpu.dma_semaphore, #tpu.memory_space<semaphore_mem>>)
      } else {
      }
      %mul3A_181 = arith.constant 2 : i32
      %mul3A_182 = arith.muli %scan3A_134, %mul3A_181 : i32
      %add3A_183 = arith.constant 1 : i32
      %add3A_184 = arith.addi %mul3A_182, %add3A_183 : i32
      %mul3A_185 = arith.constant 32000 : i32
      %mul3A_186 = arith.muli %add3A_184, %mul3A_185 : i32
      %add3A_187 = arith.addi %mul3A_2, %mul3A_186 : i32
      %dma_wait3A_188 = arith.constant 1 : i32
      %dma_wait3A_189 = arith.constant 1 : i32
      %dma_wait3A_190 = arith.constant 0 : i32
      %dma_wait3A_191 = tpu.memref_slice %arg5[%dma_wait3A_188, %dma_wait3A_190] : memref<2x32000xf32, #tpu.memory_space<vmem>> -> memref<1x32000xf32, #tpu.memory_space<vmem>>
      %dma_wait3A_192 = tpu.memref_squeeze %dma_wait3A_191 : memref<1x32000xf32, #tpu.memory_space<vmem>> -> memref<32000xf32, #tpu.memory_space<vmem>>
      %dma_wait3A_193 = tpu.memref_slice %arg2[%add3A_187] : memref<102400000xf32, #tpu.memory_space<hbm>> -> memref<32000xf32, #tpu.memory_space<hbm>>
      %dma_wait3A_194 = tpu.memref_slice %arg10[%dma_wait3A_189] : memref<2x!tpu.dma_semaphore, #tpu.memory_space<semaphore_mem>> -> memref<1x!tpu.dma_semaphore, #tpu.memory_space<semaphore_mem>>
      %dma_wait3A_195 = tpu.memref_squeeze %dma_wait3A_194 : memref<1x!tpu.dma_semaphore, #tpu.memory_space<semaphore_mem>> -> memref<!tpu.dma_semaphore, #tpu.memory_space<semaphore_mem>>
      %dma_wait3A_196 = arith.constant 0 : i32
      %dma_wait3A_197 = tpu.memref_slice %arg5[%dma_wait3A_188, %dma_wait3A_196] : memref<2x32000xf32, #tpu.memory_space<vmem>> -> memref<1x32000xf32, #tpu.memory_space<vmem>>
      %dma_wait3A_198 = tpu.memref_squeeze %dma_wait3A_197 : memref<1x32000xf32, #tpu.memory_space<vmem>> -> memref<32000xf32, #tpu.memory_space<vmem>>
      %dma_wait3A_199 = tpu.memref_slice %arg2[%add3A_187] : memref<102400000xf32, #tpu.memory_space<hbm>> -> memref<32000xf32, #tpu.memory_space<hbm>>
      tpu.wait_dma2 semaphore(%dma_wait3A_195 : memref<!tpu.dma_semaphore, #tpu.memory_space<semaphore_mem>>) src(%dma_wait3A_199 : memref<32000xf32, #tpu.memory_space<hbm>>) dst(%dma_wait3A_198 : memref<32000xf32, #tpu.memory_space<vmem>>)
      %gt3A_200 = arith.constant 0 : i32
      %gt3A_201 = arith.cmpi sgt, %scan3A_134, %gt3A_200 : i32
      %convert_element_type3A_202 = arith.extui %gt3A_201 : i1 to i32
      %cond3A_203 = arith.constant 0 : i32
      %cond3A_204 = arith.cmpi ne, %convert_element_type3A_202, %cond3A_203 : i32
      scf.if %cond3A_204 {
        %sub3A = arith.constant 2 : i32
        %sub3A_231 = arith.subi %add3A_184, %sub3A : i32
        %mul3A_232 = arith.constant 32000 : i32
        %mul3A_233 = arith.muli %sub3A_231, %mul3A_232 : i32
        %add3A_234 = arith.addi %mul3A_2, %mul3A_233 : i32
        %dma_wait3A_235 = arith.constant 1 : i32
        %dma_wait3A_236 = arith.constant 1 : i32
        %dma_wait3A_237 = arith.constant 0 : i32
        %dma_wait3A_238 = tpu.memref_slice %arg5[%dma_wait3A_235, %dma_wait3A_237] : memref<2x32000xf32, #tpu.memory_space<vmem>> -> memref<1x32000xf32, #tpu.memory_space<vmem>>
        %dma_wait3A_239 = tpu.memref_squeeze %dma_wait3A_238 : memref<1x32000xf32, #tpu.memory_space<vmem>> -> memref<32000xf32, #tpu.memory_space<vmem>>
        %dma_wait3A_240 = tpu.memref_slice %arg4[%add3A_234] : memref<102400000xf32, #tpu.memory_space<hbm>> -> memref<32000xf32, #tpu.memory_space<hbm>>
        %dma_wait3A_241 = tpu.memref_slice %arg11[%dma_wait3A_236] : memref<2x!tpu.dma_semaphore, #tpu.memory_space<semaphore_mem>> -> memref<1x!tpu.dma_semaphore, #tpu.memory_space<semaphore_mem>>
        %dma_wait3A_242 = tpu.memref_squeeze %dma_wait3A_241 : memref<1x!tpu.dma_semaphore, #tpu.memory_space<semaphore_mem>> -> memref<!tpu.dma_semaphore, #tpu.memory_space<semaphore_mem>>
        %dma_wait3A_243 = tpu.memref_slice %arg4[%add3A_234] : memref<102400000xf32, #tpu.memory_space<hbm>> -> memref<32000xf32, #tpu.memory_space<hbm>>
        %dma_wait3A_244 = arith.constant 0 : i32
        %dma_wait3A_245 = tpu.memref_slice %arg5[%dma_wait3A_235, %dma_wait3A_244] : memref<2x32000xf32, #tpu.memory_space<vmem>> -> memref<1x32000xf32, #tpu.memory_space<vmem>>
        %dma_wait3A_246 = tpu.memref_squeeze %dma_wait3A_245 : memref<1x32000xf32, #tpu.memory_space<vmem>> -> memref<32000xf32, #tpu.memory_space<vmem>>
        tpu.wait_dma2 semaphore(%dma_wait3A_242 : memref<!tpu.dma_semaphore, #tpu.memory_space<semaphore_mem>>) src(%dma_wait3A_246 : memref<32000xf32, #tpu.memory_space<vmem>>) dst(%dma_wait3A_243 : memref<32000xf32, #tpu.memory_space<hbm>>)
      } else {
      }
      %mul3A_205 = arith.constant 32000 : i32
      %mul3A_206 = arith.muli %add3A_184, %mul3A_205 : i32
      %add3A_207 = arith.addi %mul3A_2, %mul3A_206 : i32
      %dma_start3A_208 = arith.constant 1 : i32
      %dma_start3A_209 = arith.constant 1 : i32
      %dma_start3A_210 = arith.constant 0 : i32
      %dma_start3A_211 = tpu.memref_slice %arg5[%dma_start3A_208, %dma_start3A_210] : memref<2x32000xf32, #tpu.memory_space<vmem>> -> memref<1x32000xf32, #tpu.memory_space<vmem>>
      %dma_start3A_212 = tpu.memref_squeeze %dma_start3A_211 : memref<1x32000xf32, #tpu.memory_space<vmem>> -> memref<32000xf32, #tpu.memory_space<vmem>>
      %dma_start3A_213 = tpu.memref_slice %arg4[%add3A_207] : memref<102400000xf32, #tpu.memory_space<hbm>> -> memref<32000xf32, #tpu.memory_space<hbm>>
      %dma_start3A_214 = tpu.memref_slice %arg11[%dma_start3A_209] : memref<2x!tpu.dma_semaphore, #tpu.memory_space<semaphore_mem>> -> memref<1x!tpu.dma_semaphore, #tpu.memory_space<semaphore_mem>>
      %dma_start3A_215 = tpu.memref_squeeze %dma_start3A_214 : memref<1x!tpu.dma_semaphore, #tpu.memory_space<semaphore_mem>> -> memref<!tpu.dma_semaphore, #tpu.memory_space<semaphore_mem>>
      %dma_start3A_216 = tpu.memref_slice %arg4[%add3A_207] : memref<102400000xf32, #tpu.memory_space<hbm>> -> memref<32000xf32, #tpu.memory_space<hbm>>
      %dma_start3A_217 = arith.constant 0 : i32
      %dma_start3A_218 = tpu.memref_slice %arg5[%dma_start3A_208, %dma_start3A_217] : memref<2x32000xf32, #tpu.memory_space<vmem>> -> memref<1x32000xf32, #tpu.memory_space<vmem>>
      %dma_start3A_219 = tpu.memref_squeeze %dma_start3A_218 : memref<1x32000xf32, #tpu.memory_space<vmem>> -> memref<32000xf32, #tpu.memory_space<vmem>>
      tpu.enqueue_dma source(%dma_start3A_219 : memref<32000xf32, #tpu.memory_space<vmem>>) target(%dma_start3A_216 : memref<32000xf32, #tpu.memory_space<hbm>>) target_semaphore(%dma_start3A_215 : memref<!tpu.dma_semaphore, #tpu.memory_space<semaphore_mem>>)
      %mul3A_220 = arith.constant 2 : i32
      %mul3A_221 = arith.muli %scan3A_134, %mul3A_220 : i32
      %add3A_222 = arith.constant 1 : i32
      %add3A_223 = arith.addi %mul3A_221, %add3A_222 : i32
      %add3A_224 = arith.constant 2 : i32
      %add3A_225 = arith.addi %add3A_223, %add3A_224 : i32
      %lt3A_226 = arith.constant 100 : i32
      %lt3A_227 = arith.cmpi slt, %add3A_225, %lt3A_226 : i32
      %convert_element_type3A_228 = arith.extui %lt3A_227 : i1 to i32
      %cond3A_229 = arith.constant 0 : i32
      %cond3A_230 = arith.cmpi ne, %convert_element_type3A_228, %cond3A_229 : i32
      scf.if %cond3A_230 {
        %add3A_231 = arith.constant 2 : i32
        %add3A_232 = arith.addi %add3A_184, %add3A_231 : i32
        %mul3A_233 = arith.constant 32000 : i32
        %mul3A_234 = arith.muli %add3A_232, %mul3A_233 : i32
        %add3A_235 = arith.addi %mul3A_2, %mul3A_234 : i32
        %dma_start3A_236 = arith.constant 1 : i32
        %dma_start3A_237 = arith.constant 1 : i32
        %dma_start3A_238 = arith.constant 0 : i32
        %dma_start3A_239 = tpu.memref_slice %arg5[%dma_start3A_236, %dma_start3A_238] : memref<2x32000xf32, #tpu.memory_space<vmem>> -> memref<1x32000xf32, #tpu.memory_space<vmem>>
        %dma_start3A_240 = tpu.memref_squeeze %dma_start3A_239 : memref<1x32000xf32, #tpu.memory_space<vmem>> -> memref<32000xf32, #tpu.memory_space<vmem>>
        %dma_start3A_241 = tpu.memref_slice %arg2[%add3A_235] : memref<102400000xf32, #tpu.memory_space<hbm>> -> memref<32000xf32, #tpu.memory_space<hbm>>
        %dma_start3A_242 = tpu.memref_slice %arg10[%dma_start3A_237] : memref<2x!tpu.dma_semaphore, #tpu.memory_space<semaphore_mem>> -> memref<1x!tpu.dma_semaphore, #tpu.memory_space<semaphore_mem>>
        %dma_start3A_243 = tpu.memref_squeeze %dma_start3A_242 : memref<1x!tpu.dma_semaphore, #tpu.memory_space<semaphore_mem>> -> memref<!tpu.dma_semaphore, #tpu.memory_space<semaphore_mem>>
        %dma_start3A_244 = arith.constant 0 : i32
        %dma_start3A_245 = tpu.memref_slice %arg5[%dma_start3A_236, %dma_start3A_244] : memref<2x32000xf32, #tpu.memory_space<vmem>> -> memref<1x32000xf32, #tpu.memory_space<vmem>>
        %dma_start3A_246 = tpu.memref_squeeze %dma_start3A_245 : memref<1x32000xf32, #tpu.memory_space<vmem>> -> memref<32000xf32, #tpu.memory_space<vmem>>
        %dma_start3A_247 = tpu.memref_slice %arg2[%add3A_235] : memref<102400000xf32, #tpu.memory_space<hbm>> -> memref<32000xf32, #tpu.memory_space<hbm>>
        tpu.enqueue_dma source(%dma_start3A_247 : memref<32000xf32, #tpu.memory_space<hbm>>) target(%dma_start3A_246 : memref<32000xf32, #tpu.memory_space<vmem>>) target_semaphore(%dma_start3A_243 : memref<!tpu.dma_semaphore, #tpu.memory_space<semaphore_mem>>)
      } else {
      }
    }
    %scan3A_33 = arith.constant 50 : i32
    %add3A_34 = arith.constant 3136000 : i32
    %add3A_35 = arith.addi %mul3A_2, %add3A_34 : i32
    %dma_wait3A = arith.constant 0 : i32
    %dma_wait3A_36 = arith.constant 0 : i32
    %dma_wait3A_37 = arith.constant 0 : i32
    %dma_wait3A_38 = tpu.memref_slice %arg5[%dma_wait3A, %dma_wait3A_37] : memref<2x32000xf32, #tpu.memory_space<vmem>> -> memref<1x32000xf32, #tpu.memory_space<vmem>>
    %dma_wait3A_39 = tpu.memref_squeeze %dma_wait3A_38 : memref<1x32000xf32, #tpu.memory_space<vmem>> -> memref<32000xf32, #tpu.memory_space<vmem>>
    %dma_wait3A_40 = tpu.memref_slice %arg4[%add3A_35] : memref<102400000xf32, #tpu.memory_space<hbm>> -> memref<32000xf32, #tpu.memory_space<hbm>>
    %dma_wait3A_41 = tpu.memref_slice %arg11[%dma_wait3A_36] : memref<2x!tpu.dma_semaphore, #tpu.memory_space<semaphore_mem>> -> memref<1x!tpu.dma_semaphore, #tpu.memory_space<semaphore_mem>>
    %dma_wait3A_42 = tpu.memref_squeeze %dma_wait3A_41 : memref<1x!tpu.dma_semaphore, #tpu.memory_space<semaphore_mem>> -> memref<!tpu.dma_semaphore, #tpu.memory_space<semaphore_mem>>
    %dma_wait3A_43 = tpu.memref_slice %arg4[%add3A_35] : memref<102400000xf32, #tpu.memory_space<hbm>> -> memref<32000xf32, #tpu.memory_space<hbm>>
    %dma_wait3A_44 = arith.constant 0 : i32
    %dma_wait3A_45 = tpu.memref_slice %arg5[%dma_wait3A, %dma_wait3A_44] : memref<2x32000xf32, #tpu.memory_space<vmem>> -> memref<1x32000xf32, #tpu.memory_space<vmem>>
    %dma_wait3A_46 = tpu.memref_squeeze %dma_wait3A_45 : memref<1x32000xf32, #tpu.memory_space<vmem>> -> memref<32000xf32, #tpu.memory_space<vmem>>
    tpu.wait_dma2 semaphore(%dma_wait3A_42 : memref<!tpu.dma_semaphore, #tpu.memory_space<semaphore_mem>>) src(%dma_wait3A_46 : memref<32000xf32, #tpu.memory_space<vmem>>) dst(%dma_wait3A_43 : memref<32000xf32, #tpu.memory_space<hbm>>)
    %add3A_47 = arith.constant 3168000 : i32
    %add3A_48 = arith.addi %mul3A_2, %add3A_47 : i32
    %dma_wait3A_49 = arith.constant 1 : i32
    %dma_wait3A_50 = arith.constant 1 : i32
    %dma_wait3A_51 = arith.constant 0 : i32
    %dma_wait3A_52 = tpu.memref_slice %arg5[%dma_wait3A_49, %dma_wait3A_51] : memref<2x32000xf32, #tpu.memory_space<vmem>> -> memref<1x32000xf32, #tpu.memory_space<vmem>>
    %dma_wait3A_53 = tpu.memref_squeeze %dma_wait3A_52 : memref<1x32000xf32, #tpu.memory_space<vmem>> -> memref<32000xf32, #tpu.memory_space<vmem>>
    %dma_wait3A_54 = tpu.memref_slice %arg4[%add3A_48] : memref<102400000xf32, #tpu.memory_space<hbm>> -> memref<32000xf32, #tpu.memory_space<hbm>>
    %dma_wait3A_55 = tpu.memref_slice %arg11[%dma_wait3A_50] : memref<2x!tpu.dma_semaphore, #tpu.memory_space<semaphore_mem>> -> memref<1x!tpu.dma_semaphore, #tpu.memory_space<semaphore_mem>>
    %dma_wait3A_56 = tpu.memref_squeeze %dma_wait3A_55 : memref<1x!tpu.dma_semaphore, #tpu.memory_space<semaphore_mem>> -> memref<!tpu.dma_semaphore, #tpu.memory_space<semaphore_mem>>
    %dma_wait3A_57 = tpu.memref_slice %arg4[%add3A_48] : memref<102400000xf32, #tpu.memory_space<hbm>> -> memref<32000xf32, #tpu.memory_space<hbm>>
    %dma_wait3A_58 = arith.constant 0 : i32
    %dma_wait3A_59 = tpu.memref_slice %arg5[%dma_wait3A_49, %dma_wait3A_58] : memref<2x32000xf32, #tpu.memory_space<vmem>> -> memref<1x32000xf32, #tpu.memory_space<vmem>>
    %dma_wait3A_60 = tpu.memref_squeeze %dma_wait3A_59 : memref<1x32000xf32, #tpu.memory_space<vmem>> -> memref<32000xf32, #tpu.memory_space<vmem>>
    tpu.wait_dma2 semaphore(%dma_wait3A_56 : memref<!tpu.dma_semaphore, #tpu.memory_space<semaphore_mem>>) src(%dma_wait3A_60 : memref<32000xf32, #tpu.memory_space<vmem>>) dst(%dma_wait3A_57 : memref<32000xf32, #tpu.memory_space<hbm>>)
    %mul3A_61 = arith.constant 32 : i32
    %mul3A_62 = arith.muli %add3A, %mul3A_61 : i32
    "tpu.region"() ({
      %run_scoped3A = tpu.sem_alloc : memref<!tpu.dma_semaphore, #tpu.memory_space<semaphore_mem>>
      %dma_start3A_134 = tpu.memref_slice %arg3[%mul3A_62] : memref<1024xi32, #tpu.memory_space<hbm>> -> memref<32xi32, #tpu.memory_space<hbm>>
      %dma_start3A_135 = tpu.memref_slice %arg3[%mul3A_62] : memref<1024xi32, #tpu.memory_space<hbm>> -> memref<32xi32, #tpu.memory_space<hbm>>
      tpu.enqueue_dma source(%dma_start3A_135 : memref<32xi32, #tpu.memory_space<hbm>>) target(%arg7 : memref<32xi32, #tpu.memory_space<vmem>>) target_semaphore(%run_scoped3A : memref<!tpu.dma_semaphore, #tpu.memory_space<semaphore_mem>>)
      %dma_wait3A_136 = tpu.memref_slice %arg3[%mul3A_62] : memref<1024xi32, #tpu.memory_space<hbm>> -> memref<32xi32, #tpu.memory_space<hbm>>
      %dma_wait3A_137 = tpu.memref_slice %arg3[%mul3A_62] : memref<1024xi32, #tpu.memory_space<hbm>> -> memref<32xi32, #tpu.memory_space<hbm>>
      tpu.wait_dma2 semaphore(%run_scoped3A : memref<!tpu.dma_semaphore, #tpu.memory_space<semaphore_mem>>) src(%dma_wait3A_137 : memref<32xi32, #tpu.memory_space<hbm>>) dst(%arg7 : memref<32xi32, #tpu.memory_space<vmem>>)
      tpu.yield
    }) : () -> ()
    %iota3A = tpu.iota {dimensions = array<i32: 0>} : vector<16xi32>
    %mul3A_63 = arith.constant 32 : i32
    %mul3A_64 = arith.muli %add3A, %mul3A_63 : i32
    %add3A_65 = arith.constant 0 : i32
    %add3A_66 = arith.addi %mul3A_64, %add3A_65 : i32
    %add3A_67 = vector.broadcast %add3A_66 : i32 to vector<16xi32>
    %add3A_68 = arith.addi %iota3A, %add3A_67 : vector<16xi32>
    %mul3A_69 = arith.constant 100000 : i32
    %mul3A_70 = vector.broadcast %mul3A_69 : i32 to vector<16xi32>
    %mul3A_71 = arith.muli %add3A_68, %mul3A_70 : vector<16xi32>
    %get3A = arith.constant 0 : index
    %get3A_72 = tpu.vector_load %arg7[%get3A] {strides = array<i32>} : memref<32xi32, #tpu.memory_space<vmem>>, vector<16xi32>,
    %get3A_73 = vector.shape_cast %get3A_72 : vector<16xi32> to vector<16xi32>
    %add3A_74 = arith.addi %mul3A_71, %get3A_73 : vector<16xi32>
    %swap3A = arith.constant 0 : index
    %swap3A_75 = tpu.vector_load %arg8[%swap3A] {strides = array<i32>} : memref<32xi32, #tpu.memory_space<vmem>>, vector<16xi32>,
    %swap3A_76 = vector.shape_cast %swap3A_75 : vector<16xi32> to vector<16xi32>
    %swap3A_77 = vector.shape_cast %add3A_74 : vector<16xi32> to vector<16xi32>
    tpu.vector_store %arg8[%swap3A], %swap3A_77 {strides = array<i32>} : memref<32xi32, #tpu.memory_space<vmem>>, vector<16xi32>,
    %iota3A_78 = tpu.iota {dimensions = array<i32: 0>} : vector<16xi32>
    %mul3A_79 = arith.constant 32 : i32
    %mul3A_80 = arith.muli %add3A, %mul3A_79 : i32
    %add3A_81 = arith.constant 16 : i32
    %add3A_82 = arith.addi %mul3A_80, %add3A_81 : i32
    %add3A_83 = vector.broadcast %add3A_82 : i32 to vector<16xi32>
    %add3A_84 = arith.addi %iota3A_78, %add3A_83 : vector<16xi32>
    %mul3A_85 = arith.constant 100000 : i32
    %mul3A_86 = vector.broadcast %mul3A_85 : i32 to vector<16xi32>
    %mul3A_87 = arith.muli %add3A_84, %mul3A_86 : vector<16xi32>
    %get3A_88 = arith.constant 16 : index
    %get3A_89 = tpu.vector_load %arg7[%get3A_88] {strides = array<i32>} : memref<32xi32, #tpu.memory_space<vmem>>, vector<16xi32>,
    %get3A_90 = vector.shape_cast %get3A_89 : vector<16xi32> to vector<16xi32>
    %add3A_91 = arith.addi %mul3A_87, %get3A_90 : vector<16xi32>
    %swap3A_92 = arith.constant 16 : index
    %swap3A_93 = tpu.vector_load %arg8[%swap3A_92] {strides = array<i32>} : memref<32xi32, #tpu.memory_space<vmem>>, vector<16xi32>,
    %swap3A_94 = vector.shape_cast %swap3A_93 : vector<16xi32> to vector<16xi32>
    %swap3A_95 = vector.shape_cast %add3A_91 : vector<16xi32> to vector<16xi32>
    tpu.vector_store %arg8[%swap3A_92], %swap3A_95 {strides = array<i32>} : memref<32xi32, #tpu.memory_space<vmem>>, vector<16xi32>,
    %dma_start3A_96 = arith.constant 0 : i32
    %dma_start3A_97 = tpu.memref_slice %arg2[%dma_start3A_96] : memref<102400000xf32, #tpu.memory_space<hbm>> -> memref<102400000xf32, #tpu.memory_space<hbm>>
    tpu.enqueue_indirect_dma source(%dma_start3A_97 : memref<102400000xf32, #tpu.memory_space<hbm>>) target(%arg9 : memref<32xf32, #tpu.memory_space<vmem>>) offsets(%arg8 : memref<32xi32, #tpu.memory_space<vmem>>) semaphore(%arg12 : memref<!tpu.dma_semaphore, #tpu.memory_space<semaphore_mem>>)
    %dma_wait3A_98 = arith.constant 0 : i32
    %dma_wait3A_99 = tpu.memref_slice %arg2[%dma_wait3A_98] : memref<102400000xf32, #tpu.memory_space<hbm>> -> memref<102400000xf32, #tpu.memory_space<hbm>>
    tpu.wait_indirect_dma semaphore(%arg12 : memref<!tpu.dma_semaphore, #tpu.memory_space<semaphore_mem>>) src(%dma_wait3A_99 : memref<102400000xf32, #tpu.memory_space<hbm>>) dst(%arg9 : memref<32xf32, #tpu.memory_space<vmem>>)
    %get3A_100 = arith.constant 0 : index
    %get3A_101 = tpu.vector_load %arg9[%get3A_100] {strides = array<i32>} : memref<32xf32, #tpu.memory_space<vmem>>, vector<16xf32>,
    %get3A_102 = vector.shape_cast %get3A_101 : vector<16xf32> to vector<16xf32>
    %max3A = arith.constant -1.000000e+00 : f32
    %max3A_103 = vector.broadcast %max3A : f32 to vector<16xf32>
    %max3A_104 = arith.maximumf %get3A_102, %max3A_103 : vector<16xf32>
    %min3A = arith.constant 1.000000e+00 : f32
    %min3A_105 = vector.broadcast %min3A : f32 to vector<16xf32>
    %min3A_106 = arith.minimumf %max3A_104, %min3A_105 : vector<16xf32>
    %mul3A_107 = arith.constant 2.560000e+02 : f32
    %mul3A_108 = vector.broadcast %mul3A_107 : f32 to vector<16xf32>
    %mul3A_109 = arith.mulf %min3A_106, %mul3A_108 : vector<16xf32>
    %swap3A_110 = arith.constant 0 : index
    %swap3A_111 = tpu.vector_load %arg9[%swap3A_110] {strides = array<i32>} : memref<32xf32, #tpu.memory_space<vmem>>, vector<16xf32>,
    %swap3A_112 = vector.shape_cast %swap3A_111 : vector<16xf32> to vector<16xf32>
    %swap3A_113 = vector.shape_cast %mul3A_109 : vector<16xf32> to vector<16xf32>
    tpu.vector_store %arg9[%swap3A_110], %swap3A_113 {strides = array<i32>} : memref<32xf32, #tpu.memory_space<vmem>>, vector<16xf32>,
    %get3A_114 = arith.constant 16 : index
    %get3A_115 = tpu.vector_load %arg9[%get3A_114] {strides = array<i32>} : memref<32xf32, #tpu.memory_space<vmem>>, vector<16xf32>,
    %get3A_116 = vector.shape_cast %get3A_115 : vector<16xf32> to vector<16xf32>
    %max3A_117 = arith.constant -1.000000e+00 : f32
    %max3A_118 = vector.broadcast %max3A_117 : f32 to vector<16xf32>
    %max3A_119 = arith.maximumf %get3A_116, %max3A_118 : vector<16xf32>
    %min3A_120 = arith.constant 1.000000e+00 : f32
    %min3A_121 = vector.broadcast %min3A_120 : f32 to vector<16xf32>
    %min3A_122 = arith.minimumf %max3A_119, %min3A_121 : vector<16xf32>
    %mul3A_123 = arith.constant 2.560000e+02 : f32
    %mul3A_124 = vector.broadcast %mul3A_123 : f32 to vector<16xf32>
    %mul3A_125 = arith.mulf %min3A_122, %mul3A_124 : vector<16xf32>
    %swap3A_126 = arith.constant 16 : index
    %swap3A_127 = tpu.vector_load %arg9[%swap3A_126] {strides = array<i32>} : memref<32xf32, #tpu.memory_space<vmem>>, vector<16xf32>,
    %swap3A_128 = vector.shape_cast %swap3A_127 : vector<16xf32> to vector<16xf32>
    %swap3A_129 = vector.shape_cast %mul3A_125 : vector<16xf32> to vector<16xf32>
    tpu.vector_store %arg9[%swap3A_126], %swap3A_129 {strides = array<i32>} : memref<32xf32, #tpu.memory_space<vmem>>, vector<16xf32>,
    %dma_start3A_130 = arith.constant 0 : i32
    %dma_start3A_131 = tpu.memref_slice %arg4[%dma_start3A_130] : memref<102400000xf32, #tpu.memory_space<hbm>> -> memref<102400000xf32, #tpu.memory_space<hbm>>
    tpu.enqueue_indirect_dma source(%arg9 : memref<32xf32, #tpu.memory_space<vmem>>) target(%dma_start3A_131 : memref<102400000xf32, #tpu.memory_space<hbm>>) offsets(%arg8 : memref<32xi32, #tpu.memory_space<vmem>>) semaphore(%arg12 : memref<!tpu.dma_semaphore, #tpu.memory_space<semaphore_mem>>)
    %dma_wait3A_132 = arith.constant 0 : i32
    %dma_wait3A_133 = tpu.memref_slice %arg4[%dma_wait3A_132] : memref<102400000xf32, #tpu.memory_space<hbm>> -> memref<102400000xf32, #tpu.memory_space<hbm>>
    tpu.wait_indirect_dma semaphore(%arg12 : memref<!tpu.dma_semaphore, #tpu.memory_space<semaphore_mem>>) src(%arg9 : memref<32xf32, #tpu.memory_space<vmem>>) dst(%dma_wait3A_133 : memref<102400000xf32, #tpu.memory_space<hbm>>)
    return
  }
}

</mosaic_0001>

<sc_bundles>
// kernel: kernel.3.cloned.1.call-start
scs
__scs_entry_jumppad:
0x0: {  	(pc) =	sbr.rel $0x88, $3  }
0x1: {  	(tag) =	ssettag $0x0;
	lr =	simm.s32 $0x1  }
0x2: {  	[smem:$0x3F9F] =	sst lr;
	_ =	strace $0xD0000000  }
0x3: {  	_ = 	snop  }
0x4: {  	_ = 	snop  }
0x5: {  	_ = 	snop  }
0x6: {  	_ = 	snop  }
0x7: {  	_ = 	snop  }
__scs_overlays_trampoline_lowered:
0x8: {  	[smem:$0x3FAE] =	sst s0  }
0x9: {  	[smem:$0x3FAF] =	sst s1  }
0xa: {  	[smem:$0x3FB0] =	sst s2  }
0xb: {  	[smem:$0x3FB1] =	sst s3  }
0xc: {  	[smem:$0x3FB2] =	sst s4  }
0xd: {  	[smem:$0x3FB3] =	sst s5  }
0xe: {  	[smem:$0x3FB4] =	sst s6  }
0xf: {  	[smem:$0x3FB5] =	sst s7  }
0x10: {  	[smem:$0x3FB6] =	sst s8  }
0x11: {  	[smem:$0x3FB7] =	sst s9;
	s0 =	simm.s32 @!p0 $0x0  }
0x12: {  	s1 =	sld [smem:$0x3F9D];
	s0 =	simm.s32 @p0 $0x1  }
0x13: {  	[smem:$0x3FB8] =	sst s0;
	s0 =	simm.s32 @!p1 $0x0  }
0x14: {  	s2 =	sld [smem:$0x3F9C];
	s0 =	simm.s32 @p1 $0x1  }
0x15: {  	[smem:$0x3FB9] =	sst s0;
	s0 =	simm.s32 @!p2 $0x0  }
0x16: {  	s3 =	sld [smem:$0x3FDB];
	s0 =	simm.s32 @p2 $0x1  }
0x17: {  	s4 =	simm.s32 $0x1BF5;
	[smem:$0x3FBB] =	sst s0  }
0x18: {  	s0 =	sld [smem:$0x3F9E];
	_ =	swait.ge [sflag:s4], $0x0  }
0x19: {  	s7 =	sld [smem:$0x3F9F]  }
0x1a: {  	s8 =	sadd.s32 $0xFFFFE003, lr  }
0x1b: {  	s9 =	sadd.s32 $0xFFFFFEF7, lr;
	s5 =	simm.s32 $0xFFFFFFFF;
	p2 =	slt.u32 s8, $0xFFFFF086  }
0x1c: {  	p1 =	slt.u32 s9, $0xF7A;
	s5 =	simm.s32 @!p2 $0x0  }
0x1d: {  	s5 =	simm.s32 @p1 $0x1;
	p0 =	seq.s32 s7, s2  }
0x1e: {  	s7 =	smul.u32 @!p0 $0xF7A, s2;
	p2 =	seq.s32 @!p0 s5, $0x0  }
0x1f: {  	s9 =	smul.u32 $0xF7A, s1;
	s8 =	simm.s32 @!p0 $0x1BF5;
	p2 =	por !p2, p0  }
0x20: {  	[sflag:s8] =	ssyncset.s32 @!p0 $0xFFFFF086;
	s6 =	sadd.s32 @!p0 s3, s7;
	s7 =	simm.s32 @!p0 $0x108  }
0x21: {  	s3 =	sadd.s32 s3, s9;
	s6 =	sadd.s32 @!p0 $0x88, s6;
	s7 =	simm.s32 @p2 $0x1082  }
0x22: {  	[simem:s7], [sflag:s8] =	dma.local @!p0 [hbm:s6], $0xF7A  }
0x23: {  	s9 =	sor.u32 $0xD0000000, s2;
	s6 =	simm.s32 $0x108;
	_ =	swait.ge @!p0 [sflag:s8], $0x0  }
0x24: {  	s3 =	sadd.s32 $0x88, s3;
	s6 =	simm.s32 @!p1 $0x1082;
	[sflag:s4] =	ssyncset.s32 $0xFFFFF086  }
0x25: {  	[simem:s6], [sflag:s4] =	dma.local [hbm:s3], $0xF7A  }
0x26: {  	[smem:$0x3F9F] =	sst s1;
	(tag) =	ssettag s2;
	_ =	strace s9  }
0x27: {  	s1 =	sld [smem:$0x3FAF]  }
0x28: {  	s2 =	sld [smem:$0x3FB0]  }
0x29: {  	s4 =	sld [smem:$0x3FB2]  }
0x2a: {  	p0 =	seq.s32 s5, $0x0;
	s5 =	sld [smem:$0x3FB3]  }
0x2b: {  	s6 =	sld [smem:$0x3FB4]  }
0x2c: {  	s7 =	sld [smem:$0x3FB5]  }
0x2d: {  	s3 =	simm.s32 $0x108;
	s8 =	sld [smem:$0x3FB6]  }
0x2e: {  	s3 =	simm.s32 @!p0 $0x1082;
	s9 =	sld [smem:$0x3FB7]  }
0x2f: {  	lr =	sadd.s32 s0, s3;
	s0 =	sld [smem:$0x3FAE]  }
0x30: {  	s3 =	sld [smem:$0x3FB1]  }
0x31: {  	[smem:$0x3FBA] =	sst s10  }
0x32: {  	s10 =	sld [smem:$0x3FB8];
	_ =	sdelay $0x3  }
0x33: {  	p0 =	seq.s32 s10, $0x1;
	s10 =	sld [smem:$0x3FBA];
	_ =	sdelay $0x3  }
0x34: {  	[smem:$0x3FBA] =	sst s10  }
0x35: {  	s10 =	sld [smem:$0x3FB9];
	_ =	sdelay $0x3  }
0x36: {  	p1 =	seq.s32 s10, $0x1;
	s10 =	sld [smem:$0x3FBA];
	_ =	sdelay $0x3  }
0x37: {  	[smem:$0x3FBA] =	sst s10  }
0x38: {  	s10 =	sld [smem:$0x3FBB]  }
0x39: {  	_ = 	snop;
	(pc) =	sbr.ind lr, $3  }
0x3a: {  	_ = 	snop  }
0x3b: {  	_ = 	snop  }
0x3c: {  	p2 =	seq.s32 s10, $0x1;
	s10 =	sld [smem:$0x3FBA]  }
0x3d: {  	_ =	shalt  }
0x3e: {  	_ =	shalt  }
0x3f: {  	_ =	shalt  }
0x40: {  	_ =	shalt  }
0x41: {  	_ =	shalt  }
0x42: {  	_ =	shalt  }
0x43: {  	_ =	shalt  }
0x44: {  	_ =	shalt  }
0x45: {  	_ =	shalt  }
0x46: {  	_ =	shalt  }
0x47: {  	_ =	shalt  }
0x48: {  	_ =	shalt  }
0x49: {  	_ =	shalt  }
0x4a: {  	_ =	shalt  }
0x4b: {  	_ =	shalt  }
0x4c: {  	_ =	shalt  }
0x4d: {  	_ =	shalt  }
0x4e: {  	_ =	shalt  }
0x4f: {  	_ =	shalt  }
0x50: {  	_ =	shalt  }
0x51: {  	_ =	shalt  }
0x52: {  	_ =	shalt  }
0x53: {  	_ =	shalt  }
0x54: {  	_ =	shalt  }
0x55: {  	_ =	shalt  }
0x56: {  	_ =	shalt  }
0x57: {  	_ =	shalt  }
0x58: {  	_ =	shalt  }
0x59: {  	_ =	shalt  }
0x5a: {  	_ =	shalt  }
0x5b: {  	_ =	shalt  }
0x5c: {  	_ =	shalt  }
0x5d: {  	_ =	shalt  }
0x5e: {  	_ =	shalt  }
0x5f: {  	_ =	shalt  }
0x60: {  	_ =	shalt  }
0x61: {  	_ =	shalt  }
0x62: {  	_ =	shalt  }
0x63: {  	_ =	shalt  }
0x64: {  	_ =	shalt  }
0x65: {  	_ =	shalt  }
0x66: {  	_ =	shalt  }
0x67: {  	_ =	shalt  }
0x68: {  	_ =	shalt  }
0x69: {  	_ =	shalt  }
0x6a: {  	_ =	shalt  }
0x6b: {  	_ =	shalt  }
0x6c: {  	_ =	shalt  }
0x6d: {  	_ =	shalt  }
0x6e: {  	_ =	shalt  }
0x6f: {  	_ =	shalt  }
0x70: {  	_ =	shalt  }
0x71: {  	_ =	shalt  }
0x72: {  	_ =	shalt  }
0x73: {  	_ =	shalt  }
0x74: {  	_ =	shalt  }
0x75: {  	_ =	shalt  }
0x76: {  	_ =	shalt  }
0x77: {  	_ =	shalt  }
0x78: {  	_ =	shalt  }
0x79: {  	_ =	shalt  }
0x7a: {  	_ =	shalt  }
0x7b: {  	_ =	shalt  }
0x7c: {  	_ =	shalt  }
0x7d: {  	_ =	shalt  }
0x7e: {  	_ =	shalt  }
0x7f: {  	_ =	shalt  }
0x80: {  	_ =	shalt  }
0x81: {  	_ =	shalt  }
0x82: {  	_ =	shalt  }
0x83: {  	_ =	shalt  }
0x84: {  	_ =	shalt  }
0x85: {  	_ =	shalt  }
0x86: {  	_ =	shalt  }
0x87: {  	_ =	shalt  }
.Lfunc_end0:
.L_simem_size_0:
called_computation.1_lowered:
.L_overlay_start_0:
0x88: {  	s2 =	sld [smem:$0x3FD9]  }
0x89: {  	s3 =	sld [smem:$0x3FFE];
	_ =	sdelay $0x1  }
0x8a: {  	s1 =	srdreg.scid  }
0x8b: {  	s0 =	sand.u32 $0x1, s1  }
0x8c: {  	s17 =	sshll.u32 s0, $0xA;
	s2 =	sadd.s32 s3, s2  }
0x8d: {  	s2 =	sadd.s32 s2, s17  }
0x8e: {  	[smem:$0x3FC6] =	sst s2  }
0x8f: {  	_ = 	snop  }
0x90: {  	s2 =	sld [smem:$0x3FC8]  }
0x91: {  	s18 =	sld [smem:$0x3FD0];
	(tm) =	ssettm $0x1  }
0x92: {  	s4 =	sld [smem:$0x3FFB];
	_ =	sdelay $0x3  }
0x93: {  	_ =	strace s4  }
0x94: {  	s4 =	sld [smem:$0x3FFC];
	_ =	sdelay $0x3  }
0x95: {  	_ =	strace s4  }
0x96: {  	s4 =	sld [smem:$0x3FFD];
	_ =	sdelay $0x3  }
0x97: {  	_ =	strace s4  }
0x98: {  	_ =	strace $0x8FFFFFFF  }
0x99: {  	s19 =	sld [smem:$0x3FDB];
	_ =	sdelay $0x1  }
0x9a: {  	s5 =	simm.s32 $_scs_section_size  }
0x9b: {  	s6 =	simm.s32 $_size__tile_overlayer_lowered;
	s7 =	simm.s32 $_tile_overlayer_lowered  }
0x9c: {  	s22 =	simm.s32 $0x1BFF;
	s21 =	sshll.u32 s7, $0x1;
	s4 =	sadd.s32 s5, s19  }
0x9d: {  	s8 =	simm.s32 $0x0;
	s20 =	sshll.u32 s6, $0x1;
	s6 =	sadd.s32 s21, s4  }
0x9e: {  	[timem:s8], [sflag:s22] =	dma.local [hbm:s6], s20  }
0x9f: {  	_ =	swait.ge [sflag:s22], s20  }
0xa0: {  	s5 =	ssub.s32 $0x0, s20;
	[sflag:s22] =	ssyncset.done $0x0  }
0xa1: {  	[sflag:s22] =	ssyncadd.s32 s5;
	_ =	sdelay $0x1  }
0xa2: {  	s23 =	simm.s32 $0x1B8B  }
0xa3: {  	_ =	swait.ge [sflag:s23], $0x1  }
0xa4: {  	[sflag:s23] =	ssyncset.done $0x0  }
0xa5: {  	s25 =	simm.s32 $0x1B8E;
	s24 =	sld [smem:$0x3FFE];
	[sflag:s23] =	ssyncadd.s32 $0xFFFFFFFF  }
0xa6: {  	s26 =	simm.s32 $execute0_lowered;
	[smem:$0x3FD2] =	sst s25  }
0xa7: {  	s6 =	sshll.u32 s26, $0x1;
	_ =	strace $0x80000046;
	[dreg:$0x1] =	wrdreg $0xFFFFFFFF  }
0xa8: {  	s28 =	simm.s32 $_size_execute0_lowered;
	s4 =	sadd.s32 s4, s6;
	[dreg:$0x0] =	wrdreg $0x0  }
0xa9: {  	s6 =	sshll.u32 s28, $0x1;
	[dreg:$0x2] =	wrdreg s4  }
0xaa: {  	[dreg:$0x3] =	wrdreg s6  }
0xab: {  	[dreg:$0x4] =	wrdreg $0xC0  }
0xac: {  	_ =	task [dreg:s8], $0x5FFFF  }
0xad: {  	[dreg:$0x1] =	wrdreg $0xFFFFFFFF  }
0xae: {  	[dreg:$0x0] =	wrdreg $0x60  }
0xaf: {  	[dreg:$0x2] =	wrdreg s18  }
0xb0: {  	[dreg:$0x3] =	wrdreg s2  }
0xb1: {  	[dreg:$0x4] =	wrdreg s24  }
0xb2: {  	[dreg:$0x5] =	wrdreg $0x9  }
0xb3: {  	_ =	task.clear_ibuf [dreg:s8], $0x6FFFF;
	_ =	strace $0x90000046  }
0xb4: {  	s29 =	simm.s32 $0x9;
	_ =	strace $0x80000048  }
0xb5: {  	_ =	swait.ge [sflag:s29], $0x1  }
0xb6: {  	[sflag:s29] =	ssyncadd.s32 $0xFFFFFFFF  }
0xb7: {  	_ =	strace $0x90000048  }
0xb8: {  	_ =	sfence  }
0xb9: {  	s30 =	sld [smem:$0x0];
	_ =	sdelay $0x2  }
0xba: {  	s31 =	sshll.u32 s1, $0xD;
	s1 =	sshrl.u32 s1, $0x2  }
0xbb: {  	s3 =	sand.u32 $0x4000, s31;
	s1 =	sadd.s32 s1, s30  }
0xbc: {  	s0 =	sor.u32 s3, s0;
	s1 =	sshll.u32 s1, $0x11  }
0xbd: {  	s0 =	sor.u32 s1, s0  }
0xbe: {  	s0 =	sadd.s32 $0x8F2B, s0  }
0xbf: {  	[sflag:s0] =	ssyncadd.remote.s32 $0x1  }
0xc0: {  	_ =	sfence.sel $0xFFFF  }
0xc1: {  	[dreg:$0x0] =	wrdreg $0xFFFFFFFF;
	(pc) =	sbr.abs _section_cstart, $3  }
0xc2: {  	[dreg:$0x1] =	wrdreg $0xFFFFFFFF  }
0xc3: {  	_ =	task.clear_ibuf [dreg:s8], $0x2FFFF;
	_ =	strace $0x9FFFFFFF  }
0xc4: {  	(tm) =	ssettm $0x7FFFFFFF  }
0xc5: {  	_ =	shalt  }
tec
execute0_lowered:
.L_overlay_start_1:
0x0: {  	(tag) =	ssettag $0x1  }
0x1: {  	s1 =	rddreg [dreg:$0x0]  }
0x2: {  	s11 =	rddreg [dreg:$0x1];
	s2 =	srdreg.scid  }
0x3: {  	s0 =	stileid.u32;
	s5 =	rddreg [dreg:$0x2]  }
0x4: {  	s3 =	simm.s32 $0x0;
	s15 =	simm.s32 $0x3;
	s16 =	simm.s32 $0x4  }
0x5: {  	s17 =	simm.s32 $0xFA00;
	s18 =	simm.s32 $0x6;
	s19 =	simm.s32 $0x20  }
0x6: {  	s20 =	simm.s32 $0xFA80;
	s4 =	sand.u32 $0x1, s2;
	s6 =	sshll.u32 s0, $0x1  }
0x7: {  	s21 =	simm.s32 $0xFB00;
	s22 =	simm.s32 $0x5;
	s9 =	sor.u32 s4, s6  }
0x8: {  	s23 =	simm.s32 $0x0;
	s2 =	rddreg [dreg:$0x3];
	s10 =	sshll.u32 s9, $0x5  }
0x9: {  	[smem:$0x7FF] =	sst s3;
	s5 =	sadd.s32 $0x800, s5;
	s13 =	sor.u32 $0x10, s10  }
0xa: {  	s30 =	ssub.s32 $0x2, s4;
	_ =	strace $0x80000047;
	s4 =	smul.u32 $0x30D400, s9;
	v0 =	vmov s10;
	v1 =	vmov s13  }
.Ltmp0:
0xb: {  	s7 =	sshrl.u32 s30, $0x1;
	s14 =	sshll.u32 s9, $0x2;
	v0 =	vmul.u32 $0x186A0, v0;
	v1 =	vmul.u32 $0x186A0, v1;
	(pc) =	sbr.rel .LBB2_1-.Ltmp0, $4  }
0xc: {  	v2 =	vlaneseq.u32;
	s12 =	ssub.s32 s30, s7;
	s11 =	sadd.s32 s11, s14;
	s14 =	simm.s32 $0x2  }
0xd: {  	v2 =	vmul.u32 $0x186A0, v2;
	s6 =	sadd.s32 $0x7D00, s4;
	s31 =	sshrl.u32 s4, $0x3;
	s9 =	sadd.s32 $0xFA00, s4;
	v0 =	vbroadcast v0, $0x0;
	v1 =	vbroadcast v1, $0x0  }
0xe: {  	s10 =	sadd.s32 $0x17700, s4;
	s12 =	smax.u32 s12, $0x1;
	s8 =	sshrl.u32 s6, $0x3  }
0xf: {  	s13 =	simm.s32 $0x1;
	s7 =	sadd.s32 s1, s31;
	s8 =	sadd.s32 s1, s8;
	v0 =	vadd.s32 v2, v0;
	v1 =	vadd.s32 v2, v1  }
.LBB2_18:
0x10: {  	_ =	swait.ge [sflag:s15], $0x7D00  }
0x11: {  	[sflag:s15] =	ssyncset.done $0x0  }
0x12: {  	[sflag:s15] =	ssyncadd.s32 $0xFFFF8300  }
0x13: {  	_ =	swait.ge [sflag:s16], $0x7D00  }
0x14: {  	[sflag:s16] =	ssyncset.done $0x0  }
0x15: {  	[sflag:s16] =	ssyncadd.s32 $0xFFFF8300  }
0x16: {  	[tilespmem:s17], [sflag:$0x6] =	stream.linear.gather [hbm4b:s11+s3], $0x20, $0x38;
	[tilespmem:$0xFB80] =	vst v63  }
0x17: {  	_ =	swait.ge [sflag:s18], $0x20  }
0x18: {  	[sflag:s18] =	ssyncset.done $0x0  }
0x19: {  	[sflag:s18] =	ssyncadd.s32 $0xFFFFFFE0  }
0x1a: {  	v2 =	vld [tilespmem:$0xFA00]  }
0x1b: {  	v3 =	vld [tilespmem:$0xFA10];
	_ =	sdelay $0x3  }
0x1c: {  	v2 =	vadd.s32 v2, v0  }
0x1d: {  	[tilespmem:$0xFA80] =	vst v2;
	v2 =	vadd.s32 v3, v1  }
0x1e: {  	[tilespmem:$0xFA90] =	vst v2  }
0x1f: {  	[tilespmem:s21], [sflag:$0x5] =	stream.indirect.gather [hbm4b:s1+s19], $0x1, s20, s19, $0xb8;
	[tilespmem:$0xFB80] =	vst v63  }
0x20: {  	_ =	swait.ge [sflag:s22], $0x20  }
0x21: {  	[sflag:s22] =	ssyncset.done $0x0  }
0x22: {  	[sflag:s22] =	ssyncadd.s32 $0xFFFFFFE0  }
0x23: {  	v2 =	vld [tilespmem:$0xFB00]  }
0x24: {  	v3 =	vld [tilespmem:$0xFB10];
	_ =	sdelay $0x3  }
0x25: {  	v2 =	vmax.f32 v2, $-1.000000000e+00  }
0x26: {  	v3 =	vmax.f32 v3, $-1.000000000e+00;
	v2 =	vmin.f32 v2, $1.000000000e+00  }
0x27: {  	v3 =	vmin.f32 v3, $1.000000000e+00;
	v2 =	vmul.f32 $2.560000000e+02, v2  }
0x28: {  	s23 =	sadd.s32 $0x1, s23;
	v3 =	vmul.f32 $2.560000000e+02, v3  }
0x29: {  	p0 =	sne.s32 s23, s12;
	[tilespmem:$0xFB00] =	vst v2  }
.Ltmp1:
0x2a: {  	[tilespmem:$0xFB10] =	vst v3;
	(pc) =	sbr.rel @!p0 .LBB2_19-.Ltmp1, $4  }
0x2b: {  	[hbm4b:s5+s19] =	stream.indirect.scatter [tilespmem:s21], [sflag:$0x5], $0x1, s20, s19, $0xb8;
	[tilespmem:$0xFB80] =	vst v63  }
0x2c: {  	_ =	swait.ge [sflag:s22], $0x20  }
0x2d: {  	[sflag:s22] =	ssyncset.done $0x0  }
0x2e: {  	[sflag:s22] =	ssyncadd.s32 $0xFFFFFFE0  }
.LBB2_1:
0x2f: {  	s24 =	simm.s32 $0x10  }
0x30: {  	s28 =	sadd.s32 $0x0, s7;
	s25 =	simm.s32 $0x100;
	s26 =	simm.s32 $0x0  }
.LBB2_2:
0x31: {  	[tilespmem:s26], [sflag:$0x1] =	stream.linear.gather [hbm4b:s28+s3], $0x80, $0x38;
	[tilespmem:$0xFB80] =	vst v63  }
0x32: {  	s28 =	smov.u32 s24;
	s26 =	smov.u32 s25;
	p0 =	sne.s32 s24, $0xF90  }
.Ltmp2:
0x33: {  	s24 =	sadd.s32 $0x10, s24;
	(pc) =	sbr.rel @p0 .LBB2_2-.Ltmp2, $2  }
0x34: {  	_ =	sdelay $0x2  }
0x35: {  	s25 =	sadd.s32 $0x100, s25;
	s28 =	sadd.s32 s28, s7  }
0x36: {  	[tilespmem:s26], [sflag:$0x1] =	stream.linear.gather [hbm4b:s28+s3], $0x80, $0x38;
	[tilespmem:$0xFB80] =	vst v63  }
0x37: {  	s24 =	simm.s32 $0x0;
	s25 =	simm.s32 $0x80  }
0x38: {  	s26 =	simm.s32 $0x10;
	s29 =	sadd.s32 $0x0, s8;
	s28 =	simm.s32 $0x180  }
.LBB2_4:
0x39: {  	[tilespmem:s25], [sflag:$0x2] =	stream.linear.gather [hbm4b:s29+s24], $0x80, $0x38;
	[tilespmem:$0xFB80] =	vst v63  }
0x3a: {  	s29 =	smov.u32 s26;
	s25 =	smov.u32 s28;
	p0 =	sne.s32 s26, $0xF90  }
.Ltmp3:
0x3b: {  	s26 =	sadd.s32 $0x10, s26;
	(pc) =	sbr.rel @p0 .LBB2_4-.Ltmp3, $2  }
0x3c: {  	_ =	sdelay $0x2  }
0x3d: {  	s28 =	sadd.s32 $0x100, s28;
	s29 =	sadd.s32 s29, s8  }
0x3e: {  	[tilespmem:s25], [sflag:$0x2] =	stream.linear.gather [hbm4b:s29+s24], $0x80, $0x38;
	[tilespmem:$0xFB80] =	vst v63  }
.LBB2_6:
0x3f: {  	_ =	swait.ge [sflag:s13], $0x7D00  }
0x40: {  	s25 =	smul.u32 $0xFA00, s24;
	p0 =	seq.s32 s24, $0x0;
	[sflag:s13] =	ssyncset.done $0x0  }
0x41: {  	s26 =	simm.s32 @!p0 $0x3;
	[sflag:s13] =	ssyncadd.s32 $0xFFFF8300  }
0x42: {  	s28 =	sadd.s32 s4, s25;
	_ =	swait.ge @!p0 [sflag:s26], $0x7D00  }
0x43: {  	s28 =	sshrl.u32 s28, $0x3;
	[sflag:s26] =	ssyncset.done @!p0 $0x0  }
0x44: {  	s29 =	simm.s32 $0x10;
	[sflag:s26] =	ssyncadd.s32 @!p0 $0xFFFF8300;
	s26 =	sadd.s32 s5, s28  }
0x45: {  	s30 =	simm.s32 $0x100;
	s28 =	simm.s32 $0x0;
	s31 =	sadd.s32 $0x0, s26  }
.LBB2_7:
0x46: {  	[hbm4b:s31+s3] =	stream.linear.scatter [tilespmem:s28], [sflag:$0x3], $0x80, $0x38;
	[tilespmem:$0xFB80] =	vst v63  }
0x47: {  	s31 =	smov.u32 s29;
	s28 =	smov.u32 s30;
	p1 =	sne.s32 s29, $0xF90  }
.Ltmp4:
0x48: {  	s29 =	sadd.s32 $0x10, s29;
	(pc) =	sbr.rel @p1 .LBB2_7-.Ltmp4, $2  }
0x49: {  	_ =	sdelay $0x2  }
0x4a: {  	s30 =	sadd.s32 $0x100, s30;
	s31 =	sadd.s32 s31, s26  }
0x4b: {  	p1 =	seq.s32 s24, $0x31  }
.Ltmp5:
0x4c: {  	_ = 	snop;
	(pc) =	sbr.rel @p1 .LBB2_12-.Ltmp5, $2  }
0x4d: {  	_ =	sdelay $0x2  }
0x4e: {  	[hbm4b:s31+s3] =	stream.linear.scatter [tilespmem:s28], [sflag:$0x3], $0x80, $0x38;
	[tilespmem:$0xFB80] =	vst v63  }
0x4f: {  	s26 =	sadd.s32 s25, s9  }
0x50: {  	s26 =	sshrl.u32 s26, $0x3  }
0x51: {  	s28 =	simm.s32 $0x0;
	s26 =	sadd.s32 s1, s26  }
0x52: {  	s29 =	simm.s32 $0x10;
	s30 =	simm.s32 $0x100;
	s31 =	sadd.s32 $0x0, s26  }
.LBB2_10:
0x53: {  	[tilespmem:s28], [sflag:$0x1] =	stream.linear.gather [hbm4b:s31+s3], $0x80, $0x38;
	[tilespmem:$0xFB80] =	vst v63  }
0x54: {  	s31 =	smov.u32 s29;
	s28 =	smov.u32 s30;
	p2 =	sne.s32 s29, $0xF90  }
.Ltmp6:
0x55: {  	s29 =	sadd.s32 $0x10, s29;
	(pc) =	sbr.rel @p2 .LBB2_10-.Ltmp6, $2  }
0x56: {  	_ =	sdelay $0x2  }
0x57: {  	s30 =	sadd.s32 $0x100, s30;
	s31 =	sadd.s32 s31, s26  }
0x58: {  	[tilespmem:s28], [sflag:$0x1] =	stream.linear.gather [hbm4b:s31+s3], $0x80, $0x38;
	[tilespmem:$0xFB80] =	vst v63  }
.LBB2_12:
0x59: {  	_ =	swait.ge [sflag:s14], $0x7D00  }
0x5a: {  	[sflag:s14] =	ssyncset.done $0x0  }
0x5b: {  	s26 =	simm.s32 @!p0 $0x4;
	[sflag:s14] =	ssyncadd.s32 $0xFFFF8300  }
0x5c: {  	s28 =	sadd.s32 s25, s6;
	_ =	swait.ge @!p0 [sflag:s26], $0x7D00  }
0x5d: {  	s28 =	sshrl.u32 s28, $0x3;
	[sflag:s26] =	ssyncset.done @!p0 $0x0  }
0x5e: {  	s29 =	simm.s32 $0x10;
	[sflag:s26] =	ssyncadd.s32 @!p0 $0xFFFF8300;
	s26 =	sadd.s32 s5, s28  }
0x5f: {  	s30 =	simm.s32 $0x180;
	s28 =	simm.s32 $0x80;
	s31 =	sadd.s32 $0x0, s26  }
.LBB2_13:
0x60: {  	[hbm4b:s31+s3] =	stream.linear.scatter [tilespmem:s28], [sflag:$0x4], $0x80, $0x38;
	[tilespmem:$0xFB80] =	vst v63  }
0x61: {  	s31 =	smov.u32 s29;
	s28 =	smov.u32 s30;
	p0 =	sne.s32 s29, $0xF90  }
.Ltmp7:
0x62: {  	s29 =	sadd.s32 $0x10, s29;
	(pc) =	sbr.rel @p0 .LBB2_13-.Ltmp7, $2  }
0x63: {  	_ =	sdelay $0x2  }
0x64: {  	s30 =	sadd.s32 $0x100, s30;
	s31 =	sadd.s32 s31, s26  }
.Ltmp8:
0x65: {  	(pc) =	sbr.rel @p1 .LBB2_18-.Ltmp8, $2  }
0x66: {  	_ =	sdelay $0x2  }
0x67: {  	[hbm4b:s31+s3] =	stream.linear.scatter [tilespmem:s28], [sflag:$0x4], $0x80, $0x38;
	[tilespmem:$0xFB80] =	vst v63  }
0x68: {  	s25 =	sadd.s32 s25, s10  }
0x69: {  	s25 =	sshrl.u32 s25, $0x3  }
0x6a: {  	s26 =	simm.s32 $0x80;
	s25 =	sadd.s32 s1, s25  }
0x6b: {  	s28 =	simm.s32 $0x10;
	s29 =	simm.s32 $0x180;
	s30 =	sadd.s32 $0x0, s25  }
.LBB2_16:
0x6c: {  	[tilespmem:s26], [sflag:$0x2] =	stream.linear.gather [hbm4b:s30+s3], $0x80, $0x38;
	[tilespmem:$0xFB80] =	vst v63  }
0x6d: {  	s30 =	smov.u32 s28;
	s26 =	smov.u32 s29;
	p0 =	sne.s32 s28, $0xF90  }
.Ltmp9:
0x6e: {  	s28 =	sadd.s32 $0x10, s28;
	(pc) =	sbr.rel @p0 .LBB2_16-.Ltmp9, $2  }
0x6f: {  	_ =	sdelay $0x2  }
0x70: {  	s29 =	sadd.s32 $0x100, s29;
	s30 =	sadd.s32 s30, s25  }
.Ltmp10:
0x71: {  	(pc) =	sbr.rel .LBB2_6-.Ltmp10, $3  }
0x72: {  	_ =	sdelay $0x1  }
0x73: {  	[tilespmem:s26], [sflag:$0x2] =	stream.linear.gather [hbm4b:s30+s3], $0x80, $0x38;
	[tilespmem:$0xFB80] =	vst v63  }
0x74: {  	s24 =	sadd.s32 $0x1, s24  }
.LBB2_19:
0x75: {  	_ =	sfence.sel $0x180000  }
0x76: {  	[bflag:$0x0] =	sbarrier.arrive $0xFFFF  }
0x77: {  	p0 =	sne.s32 s0, $0x0;
	_ =	strace $0x90000047  }
0x78: {  	s0 =	sadd.s32 @!p0 $0x100000, s2;
	[bflag:$0x2] =	sbarrier.arrive $0xFFFF  }
0x79: {  	[sflag:s0] =	ssyncadd.tile.s32 @!p0 $0x1;
	_ =	shalt  }
.Lfunc_end2:
_tile_overlayer_lowered:
.L_overlay_start_2:
0x7a: {  	(tag) =	ssettag $0x2  }
0x7b: {  	s0 =	rddreg [dreg:$0x0];
	s2 =	stileid.u32  }
0x7c: {  	s1 =	rddreg [dreg:$0x1];
	p0 =	sne.s32 s2, $0x0  }
0x7d: {  	s3 =	rddreg [dreg:$0x2];
	[bflag:$0x3] =	sbarrier.arrive $0xFFFF;
	s2 =	simm.s32 @!p0 $0x1C06  }
0x7e: {  	[timem:s3], [sflag:s2] =	dma.local @!p0 [hbm:s0], s1  }
0x7f: {  	s0 =	simm.s32 @!p0 $0x6  }
0x80: {  	_ =	swait.ge @!p0 [sflag:s0], s1  }
0x81: {  	s1 =	ssub.s32 @!p0 $0x0, s1;
	[sflag:s0] =	ssyncset.done @!p0 $0x0  }
0x82: {  	[sflag:s0] =	ssyncadd.s32 @!p0 s1  }
0x83: {  	[bflag:$0x3] =	sbarrier.arrive $0xFFFF  }
0x84: {  	_ =	shalt  }

// kernel: sparse-core-data-format-call.cloned.1.call-start
scs
called_computation_lowered:
.L_overlay_start_0:
0x0: {  	s2 =	sld [smem:$0x3FD9]  }
0x1: {  	s3 =	sld [smem:$0x3FFE];
	_ =	sdelay $0x1  }
0x2: {  	s1 =	srdreg.scid  }
0x3: {  	s0 =	sand.u32 $0x1, s1  }
0x4: {  	s18 =	sshll.u32 s0, $0xA;
	s2 =	sadd.s32 s3, s2  }
0x5: {  	s2 =	sadd.s32 s2, s18  }
0x6: {  	[smem:$0x3FC6] =	sst s2  }
0x7: {  	_ = 	snop  }
0x8: {  	s2 =	sld [smem:$0x3FD0];
	(tm) =	ssettm $0x1  }
0x9: {  	s19 =	sld [smem:$0x3FFB];
	_ =	sdelay $0x3  }
0xa: {  	_ =	strace s19  }
0xb: {  	s3 =	sld [smem:$0x3FFC];
	_ =	sdelay $0x3  }
0xc: {  	_ =	strace s3  }
0xd: {  	s3 =	sld [smem:$0x3FFD];
	_ =	sdelay $0x3  }
0xe: {  	_ =	strace s3  }
0xf: {  	_ =	strace $0x8FFFFFFF  }
0x10: {  	s20 =	sld [smem:$0x3FDB];
	_ =	sdelay $0x1  }
0x11: {  	s4 =	simm.s32 $_scs_section_size  }
0x12: {  	s5 =	simm.s32 $_size__tile_overlayer_lowered;
	s6 =	simm.s32 $_tile_overlayer_lowered  }
0x13: {  	s23 =	simm.s32 $0x1BFF;
	s22 =	sshll.u32 s6, $0x1;
	s3 =	sadd.s32 s4, s20  }
0x14: {  	s7 =	simm.s32 $0x0;
	s21 =	sshll.u32 s5, $0x1;
	s5 =	sadd.s32 s22, s3  }
0x15: {  	[timem:s7], [sflag:s23] =	dma.local [hbm:s5], s21  }
0x16: {  	_ =	swait.ge [sflag:s23], s21  }
0x17: {  	s4 =	ssub.s32 $0x0, s21;
	[sflag:s23] =	ssyncset.done $0x0  }
0x18: {  	[sflag:s23] =	ssyncadd.s32 s4;
	_ =	sdelay $0x1  }
0x19: {  	s24 =	simm.s32 $0x1B8B  }
0x1a: {  	_ =	swait.ge [sflag:s24], $0x1  }
0x1b: {  	[sflag:s24] =	ssyncset.done $0x0  }
0x1c: {  	s26 =	simm.s32 $0x1B8E;
	s25 =	sld [smem:$0x3FFE];
	[sflag:s24] =	ssyncadd.s32 $0xFFFFFFFF  }
0x1d: {  	s27 =	simm.s32 $execute0_lowered;
	[smem:$0x3FD2] =	sst s26  }
0x1e: {  	s5 =	sshll.u32 s27, $0x1;
	_ =	strace $0x80000049;
	[dreg:$0x1] =	wrdreg $0xFFFFFFFF  }
0x1f: {  	s28 =	simm.s32 $_size_execute0_lowered;
	s3 =	sadd.s32 s3, s5;
	[dreg:$0x0] =	wrdreg $0x0  }
0x20: {  	s5 =	sshll.u32 s28, $0x1;
	[dreg:$0x2] =	wrdreg s3  }
0x21: {  	[dreg:$0x3] =	wrdreg s5  }
0x22: {  	[dreg:$0x4] =	wrdreg $0xC0  }
0x23: {  	_ =	task [dreg:s7], $0x5FFFF  }
0x24: {  	[dreg:$0x1] =	wrdreg $0xFFFFFFFF  }
0x25: {  	[dreg:$0x0] =	wrdreg $0x60  }
0x26: {  	[dreg:$0x2] =	wrdreg s25  }
0x27: {  	[dreg:$0x3] =	wrdreg s2  }
0x28: {  	[dreg:$0x4] =	wrdreg $0x9  }
0x29: {  	_ =	task.clear_ibuf [dreg:s7], $0x5FFFF;
	_ =	strace $0x90000049  }
0x2a: {  	s29 =	simm.s32 $0x9;
	_ =	strace $0x8000004B  }
0x2b: {  	_ =	swait.ge [sflag:s29], $0x1  }
0x2c: {  	[sflag:s29] =	ssyncadd.s32 $0xFFFFFFFF  }
0x2d: {  	_ =	strace $0x9000004B  }
0x2e: {  	_ =	sfence  }
0x2f: {  	s30 =	sld [smem:$0x0];
	_ =	sdelay $0x2  }
0x30: {  	s31 =	sshll.u32 s1, $0xD;
	s1 =	sshrl.u32 s1, $0x2  }
0x31: {  	s3 =	sand.u32 $0x4000, s31;
	s1 =	sadd.s32 s1, s30  }
0x32: {  	s0 =	sor.u32 s3, s0;
	s1 =	sshll.u32 s1, $0x11  }
0x33: {  	s0 =	sor.u32 s1, s0  }
0x34: {  	s0 =	sadd.s32 $0x8F2B, s0  }
0x35: {  	[sflag:s0] =	ssyncadd.remote.s32 $0x1  }
0x36: {  	_ =	sfence.sel $0xFFFF  }
0x37: {  	[dreg:$0x0] =	wrdreg $0xFFFFFFFF;
	(pc) =	sbr.abs _section_cstart, $3  }
0x38: {  	[dreg:$0x1] =	wrdreg $0xFFFFFFFF  }
0x39: {  	_ =	task.clear_ibuf [dreg:s7], $0x2FFFF;
	_ =	strace $0x9FFFFFFF  }
0x3a: {  	(tm) =	ssettm $0x7FFFFFFF  }
0x3b: {  	_ =	shalt  }
tec
execute0_lowered:
.L_overlay_start_1:
0x0: {  	(tag) =	ssettag $0x1  }
0x1: {  	s0 =	stileid.u32  }
0x2: {  	s2 =	srdreg.scid;
	s7 =	rddreg [dreg:$0x0]  }
0x3: {  	s6 =	simm.s32 $0x1;
	s31 =	simm.s32 $0x2;
	s16 =	simm.s32 $0x0  }
0x4: {  	s9 =	simm.s32 $0x2000;
	s15 =	simm.s32 $0x0;
	s10 =	simm.s32 $0x0  }
0x5: {  	s11 =	simm.s32 $0x0;
	s14 =	simm.s32 $0x0;
	s1 =	sshll.u32 s0, $0x7  }
0x6: {  	s3 =	sshll.u32 s0, $0x4;
	s2 =	sshll.u32 s2, $0x8;
	s1 =	sand.u32 $0x380, s1  }
0x7: {  	s7 =	sadd.s32 $0xC35800, s7;
	s2 =	sor.u32 s3, s2;
	s5 =	ssub.s32 $0x400, s1  }
0x8: {  	s3 =	rddreg [dreg:$0x1];
	s4 =	sand.u32 $0x180, s2;
	s29 =	sand.u32 $0x380, s5  }
0x9: {  	s30 =	ssub.s32 $0x18680, s4;
	s5 =	sshrl.u32 s5, $0xA;
	p0 =	sne.s32 s29, $0x0  }
.Ltmp0:
0xa: {  	s8 =	sshrl.u32 s30, $0x9;
	s6 =	simm.s32 @!p0 $0x0;
	(pc) =	sbr.rel .LBB1_1-.Ltmp0, $4  }
0xb: {  	s2 =	rddreg [dreg:$0x2];
	s8 =	sadd.s32 $0x1, s8;
	s6 =	sadd.s32 s6, s5  }
0xc: {  	_ =	strace $0x8000004A;
	s5 =	simm.s32 $0x1;
	s6 =	smul.u32 s6, s8  }
0xd: {  	s13 =	smov.u32 s1;
	s12 =	smov.u32 s4;
	[sflag:s5] =	ssyncpa.u1 $0x0  }
0xe: {  	p0 =	por $0x0, $0x0;
	[sflag:s31] =	ssyncpa.u1 $0x0;
	s8 =	sadd.s32 $0x1, s6  }
.LBB1_4:
0xf: {  	s21 =	sshra.s32 s21, $0x2;
	s27 =	sshll.u32 s10, $0xA;
	s22 =	sshll.u32 s11, $0x3  }
0x10: {  	s23 =	sshll.u32 s10, $0x7;
	s24 =	sand.u32 $0x78, s11;
	p1 =	sgt.s32 s10, $0x18620  }
0x11: {  	s25 =	sshra.s32 s10, $0x1F;
	s26 =	sshra.s32 s11, $0x1F;
	s20 =	sadd.s32 s21, s20  }
0x12: {  	v5 =	vld [tilespmem:s18+$0xFFFFFFD0];
	[tilespmem:s19+$0x2040 ss:$0x81] =	vst.msk $0xffff, v4;
	s21 =	sand.u32 $0xFFFFE000, s27;
	s22 =	sand.u32 $0xFFFFFC00, s22;
	s28 =	sand.u32 $0x380, s23  }
0x13: {  	v58 =	vld [tilespmem:s18+$0xFFFFFFE0];
	[tilespmem:s19+$0x2850 ss:$0x81] =	vst.msk $0xffff, v3;
	s23 =	smov.u32 s10;
	s30 =	sand.u32 s25, s10;
	s25 =	smov.u32 s11  }
0x14: {  	v59 =	vld [tilespmem:s18+$0xFFFFFFF0];
	[tilespmem:s19+$0x3060 ss:$0x81] =	vst.msk $0xffff, v2;
	s31 =	sand.u32 s26, s11;
	s21 =	sadd.s32 s22, s21;
	s22 =	sor.u32 s24, s28  }
0x15: {  	v60 =	vld [tilespmem:s18+$0x0];
	[tilespmem:s19+$0x0 ss:$0x81] =	vst.msk $0xffff, v1;
	s23 =	simm.s32 @!p1 $0x18620;
	p1 =	sgt.s32 s11, $0x380;
	s21 =	sshrl.u32 s21, $0xA  }
0x16: {  	v61 =	vld [tilespmem:s18+$0x10];
	[tilespmem:s20+$0x3870 ss:$0x81] =	vst.msk $0xffff, v0;
	s19 =	ssub.s32 s23, s30;
	s25 =	simm.s32 @!p1 $0x380;
	s29 =	smulhi.u32 $0x53E2D7, s21  }
0x17: {  	v62 =	vld [tilespmem:s18+$0x20];
	s23 =	ssub.s32 s25, s31;
	s26 =	sadd.s32 $0xFFFE79E0, s19;
	s19 =	ssub.s32 $0x186A0, s19;
	[tilespmem:s20+$0x810 ss:$0x81] =	vst.msk $0xffff, v5  }
0x18: {  	v63 =	vld [tilespmem:s18+$0xFFFFFFC0];
	[tilespmem:s20+$0x1020 ss:$0x81] =	vst.msk $0xffff, v58;
	p1 =	sgt.s32 s26, $0x7F;
	s28 =	sadd.s32 $0xFFFFFC80, s23;
	s24 =	sshrl.u32 s29, $0x7  }
0x19: {  	[tilespmem:s20+$0x1830 ss:$0x81] =	vst.msk $0xffff, v59;
	s23 =	ssub.s32 $0x400, s23;
	p2 =	sgt.s32 s28, $0x7F;
	s27 =	smul.u32 $0x186A0, s24  }
0x1a: {  	s30 =	sand.u32 $0x7, s11;
	[tilespmem:s20+$0x2040 ss:$0x81] =	vst.msk $0xffff, v60;
	s19 =	simm.s32 @p1 $0x0;
	s23 =	simm.s32 @p2 $0x0  }
0x1b: {  	[tilespmem:s20+$0x2850 ss:$0x81] =	vst.msk $0xffff, v61;
	s29 =	sshrl.u32 s22, $0x3;
	s19 =	smul.u32 s23, s19;
	s18 =	ssub.s32 s21, s27  }
0x1c: {  	[tilespmem:s20+$0x3060 ss:$0x81] =	vst.msk $0xffff, v62;
	s22 =	sshll.u32 s30, $0x12;
	s21 =	sadd.s32 s3, s29;
	s18 =	sshll.u32 s18, $0x7  }
0x1d: {  	[tilespmem:s20+$0x0 ss:$0x81] =	vst.msk $0xffff, v63;
	s31 =	sor.u32 $0x400, s22;
	s19 =	sand.u32 $0x3FFFFFFF, s19;
	s18 =	sadd.s32 s18, s21  }
0x1e: {  	[hbm4b:s18+s31] =	stream.strided.scatter [tilespmem:s17], [sflag:$0x2], s19, s9, s31, $0x20;
	[tilespmem:$0x10100] =	vst v63  }
.LBB1_5:
0x1f: {  	p1 =	slt.u32 s14, $0x2  }
0x20: {  	s18 =	smov.u32 s16;
	p2 =	sgt.s32 @!p1 s16, $0x18620;
	s17 =	sshra.s32 @!p1 s16, $0x1F  }
0x21: {  	p3 =	sgt.s32 @!p1 s15, $0x380;
	s19 =	sshra.s32 @!p1 s15, $0x1F;
	p2 =	por !p2, p1  }
0x22: {  	s16 =	sand.u32 @!p1 s17, s16;
	p3 =	por !p3, p1;
	s17 =	smov.u32 s15  }
0x23: {  	s15 =	sand.u32 @!p1 s19, s15;
	s18 =	simm.s32 @p2 $0x18620;
	s17 =	simm.s32 @p3 $0x380  }
0x24: {  	s16 =	ssub.s32 @!p1 s18, s16;
	s15 =	ssub.s32 @!p1 s17, s15  }
0x25: {  	s19 =	smov.u32 s13;
	s17 =	sadd.s32 @!p1 $0xFFFE79E0, s16;
	s18 =	sadd.s32 @!p1 $0xFFFFFC80, s15  }
0x26: {  	s16 =	ssub.s32 @!p1 $0x186A0, s16;
	p2 =	sgt.s32 @!p1 s17, $0x7F;
	p3 =	sgt.s32 @!p1 s18, $0x7F  }
0x27: {  	s15 =	ssub.s32 @!p1 $0x400, s15;
	p2 =	por !p2, p1;
	p3 =	por !p3, p1  }
0x28: {  	s17 =	sadd.s32 $0x200, s12;
	s16 =	simm.s32 @!p2 $0x0;
	s15 =	simm.s32 @!p3 $0x0  }
0x29: {  	p2 =	sgt.s32 s17, $0x1869F;
	s15 =	smul.u32 @!p1 s15, s16;
	s16 =	sadd.s32 $0x400, s13  }
0x2a: {  	s19 =	smov.u32 @p2 s16  }
0x2b: {  	s17 =	smov.u32 @p2 s4;
	p2 =	sgt.s32 s19, $0x3FF  }
0x2c: {  	s19 =	smov.u32 @p2 s1;
	p2 =	sne.s32 s14, s8  }
.Ltmp1:
0x2d: {  	p0 =	por !p0, !p0;
	s18 =	simm.s32 @!p1 $0x2;
	(pc) =	sbr.rel @!p2 .LBB1_6-.Ltmp1, $4  }
0x2e: {  	s16 =	smov.u32 s10;
	s10 =	smov.u32 s12;
	s15 =	sand.u32 @!p1 $0x3FFFFFFF, s15  }
0x2f: {  	s12 =	smov.u32 s17;
	_ =	swait.ge @!p1 [sflag:s18], s15;
	s20 =	ssub.s32 @!p1 $0x0, s15  }
0x30: {  	s15 =	smov.u32 s11;
	s14 =	sadd.s32 $0x1, s14;
	[sflag:s18] =	ssyncset.done @!p1 $0x0  }
0x31: {  	s11 =	smov.u32 s13;
	s13 =	smov.u32 s19;
	[sflag:s18] =	ssyncadd.s32 @!p1 s20  }
.LBB1_1:
0x32: {  	p1 =	sge.u32 s14, s6  }
0x33: {  	s17 =	sshrl.u32 @!p1 s13, $0x3  }
0x34: {  	s18 =	sshll.u32 @!p1 s12, $0x3;
	s17 =	smul.u32 @!p1 $0xC3800, s17  }
0x35: {  	s19 =	sshll.u32 @!p1 s13, $0x7;
	s18 =	sand.u32 @!p1 $0xFFFFFC00, s18  }
0x36: {  	s17 =	sadd.s32 @!p1 s17, s18;
	s18 =	sand.u32 @!p1 $0x380, s19  }
0x37: {  	s19 =	sand.u32 @!p1 $0x7F, s12;
	s17 =	sor.u32 @!p1 s18, s17  }
0x38: {  	s18 =	sor.u32 @!p1 s19, s17  }
0x39: {  	s19 =	smulhi.u32 @!p1 $0xA79C7B17, s18;
	_ =	sdelay $0x1  }
0x3a: {  	s17 =	smulhi.u32 @!p1 $0xA79C7B17, s17;
	s19 =	sshrl.u32 @!p1 s19, $0x10  }
0x3b: {  	s19 =	smul.u32 @!p1 $0x18700, s19  }
0x3c: {  	s31 =	sadd.s32 $0xFFFFFFFF, s14;
	s20 =	sxor.u32 @!p1 $0xFFFFFFFF, s14;
	s17 =	sshrl.u32 @!p1 s17, $0x10  }
0x3d: {  	s20 =	sshll.u32 @!p1 s20, $0xE;
	s17 =	sand.u32 @!p1 $0x3FF, s17;
	s18 =	ssub.s32 @!p1 s18, s19  }
0x3e: {  	s17 =	smul.u32 @!p1 $0x30E0, s17;
	s19 =	sshrl.u32 @!p1 s18, $0x3;
	s18 =	sand.u32 @!p1 $0x7, s18  }
0x3f: {  	s20 =	sand.u32 @!p1 $0x4000, s20;
	s19 =	sadd.s32 @!p1 s7, s19;
	s18 =	sshll.u32 @!p1 s18, $0x12  }
0x40: {  	s17 =	sadd.s32 @!p1 s17, s19;
	s18 =	sor.u32 @!p1 $0x400, s18;
	s19 =	simm.s32 @!p1 $0xC3800  }
0x41: {  	[tilespmem:s20], [sflag:$0x1] =	stream.strided.gather @!p1 [hbm4b:s17+s18], $0x4000, s19, s18, $0x38;
	[tilespmem:$0x10100] =	vst v63  }
0x42: {  	p1 =	sge.u32 s31, s6  }
.Ltmp2:
0x43: {  	_ = 	snop;
	(pc) =	sbr.rel @p1 .LBB1_5-.Ltmp2, $1  }
0x44: {  	_ =	sdelay $0x3  }
0x45: {  	s17 =	simm.s32 $0x1  }
0x46: {  	_ =	swait.ge [sflag:s5], $0x4000;
	s17 =	simm.s32 @!p0 $0x0  }
0x47: {  	[sflag:s5] =	ssyncset.done $0x0;
	s18 =	sshll.u32 s17, $0xE  }
0x48: {  	[sflag:s5] =	ssyncadd.s32 $0xFFFFC000;
	s18 =	sor.u32 $0x40, s18  }
0x49: {  	s17 =	smul.u32 $0x10200, s17;
	v0 =	vld [tilespmem:s18+$0x30]  }
0x4a: {  	v1 =	vld [tilespmem:s18+$0xFFFFFFD0]  }
0x4b: {  	s17 =	sshrl.u32 s17, $0x2;
	v5 =	vld [tilespmem:s18+$0xFFFFFFE0]  }
0x4c: {  	v6 =	vld [tilespmem:s18+$0xFFFFFFF0];
	s20 =	sor.u32 $0x8000, s17  }
0x4d: {  	s31 =	sand.u32 $0x1, s14;
	v4 =	vld [tilespmem:s18+$0x0];
	s19 =	sadd.s32 $0x0, s20  }
0x4e: {  	v3 =	vld [tilespmem:s18+$0x10];
	s17 =	smul.u32 $0x10200, s31;
	[tilespmem:s19+$0x3870 ss:$0x81] =	vst.msk $0xffff, v0  }
0x4f: {  	v2 =	vld [tilespmem:s18+$0x20];
	[tilespmem:s19+$0x810 ss:$0x81] =	vst.msk $0xffff, v1  }
0x50: {  	s17 =	sshrl.u32 s17, $0x2;
	v1 =	vld [tilespmem:s18+$0xFFFFFFC0];
	[tilespmem:s19+$0x1020 ss:$0x81] =	vst.msk $0xffff, v5;
	s18 =	sadd.s32 $0x80, s18  }
0x51: {  	s21 =	simm.s32 $0x4;
	s22 =	simm.s32 $0x8;
	s17 =	sor.u32 $0x8000, s17;
	[tilespmem:s19+$0x1830 ss:$0x81] =	vst.msk $0xffff, v6;
	v0 =	vld [tilespmem:s18+$0x30]  }
.LBB1_3:
0x52: {  	p1 =	sne.s32 s22, $0x1FC;
	v5 =	vld [tilespmem:s18+$0xFFFFFFD0];
	[tilespmem:s19+$0x2040 ss:$0x81] =	vst.msk $0xffff, v4  }
0x53: {  	v6 =	vld [tilespmem:s18+$0xFFFFFFE0];
	[tilespmem:s19+$0x2850 ss:$0x81] =	vst.msk $0xffff, v3  }
0x54: {  	s23 =	sshra.s32 s21, $0x2;
	s21 =	smov.u32 s22;
	v7 =	vld [tilespmem:s18+$0xFFFFFFF0];
	[tilespmem:s19+$0x3060 ss:$0x81] =	vst.msk $0xffff, v2  }
.Ltmp3:
0x55: {  	v4 =	vld [tilespmem:s18+$0x0];
	[tilespmem:s19+$0x0 ss:$0x81] =	vst.msk $0xffff, v1;
	s19 =	sadd.s32 s23, s20;
	(pc) =	sbr.rel @p1 .LBB1_3-.Ltmp3, $4  }
0x56: {  	v3 =	vld [tilespmem:s18+$0x10];
	[tilespmem:s19+$0x3870 ss:$0x81] =	vst.msk $0xffff, v0  }
0x57: {  	[tilespmem:s19+$0x810 ss:$0x81] =	vst.msk $0xffff, v5;
	v2 =	vld [tilespmem:s18+$0x20]  }
0x58: {  	v1 =	vld [tilespmem:s18+$0xFFFFFFC0];
	[tilespmem:s19+$0x1020 ss:$0x81] =	vst.msk $0xffff, v6;
	s18 =	sadd.s32 $0x80, s18  }
0x59: {  	s22 =	sadd.s32 $0x4, s22;
	v0 =	vld [tilespmem:s18+$0x30];
	[tilespmem:s19+$0x1830 ss:$0x81] =	vst.msk $0xffff, v7  }
.Ltmp4:
0x5a: {  	_ = 	snop;
	(pc) =	sbr.rel .LBB1_4-.Ltmp4, $1  }
0x5b: {  	_ =	sdelay $0x3  }
.LBB1_6:
0x5c: {  	_ =	sfence.sel $0x180000  }
0x5d: {  	s1 =	simm.s32 $0x1;
	[bflag:$0x0] =	sbarrier.arrive $0xFFFF  }
0x5e: {  	s31 =	simm.s32 $0x2;
	[sflag:s1] =	ssyncpa.u1 $0x1  }
0x5f: {  	[sflag:s31] =	ssyncpa.u1 $0x1  }
0x60: {  	p0 =	sne.s32 s0, $0x0;
	_ =	strace $0x9000004A  }
0x61: {  	s0 =	sadd.s32 @!p0 $0x100000, s2;
	[bflag:$0x2] =	sbarrier.arrive $0xFFFF  }
0x62: {  	[sflag:s0] =	ssyncadd.tile.s32 @!p0 $0x1;
	_ =	shalt  }
.Lfunc_end1:
_tile_overlayer_lowered:
.L_overlay_start_2:
0x63: {  	(tag) =	ssettag $0x2  }
0x64: {  	s0 =	rddreg [dreg:$0x0];
	s2 =	stileid.u32  }
0x65: {  	s1 =	rddreg [dreg:$0x1];
	p0 =	sne.s32 s2, $0x0  }
0x66: {  	s3 =	rddreg [dreg:$0x2];
	[bflag:$0x3] =	sbarrier.arrive $0xFFFF;
	s2 =	simm.s32 @!p0 $0x1C01  }
0x67: {  	[timem:s3], [sflag:s2] =	dma.local @!p0 [hbm:s0], s1  }
0x68: {  	s0 =	simm.s32 @!p0 $0x1  }
0x69: {  	_ =	swait.ge @!p0 [sflag:s0], s1  }
0x6a: {  	s1 =	ssub.s32 @!p0 $0x0, s1;
	[sflag:s0] =	ssyncset.done @!p0 $0x0  }
0x6b: {  	[sflag:s0] =	ssyncadd.s32 @!p0 s1  }
0x6c: {  	[bflag:$0x3] =	sbarrier.arrive $0xFFFF  }
0x6d: {  	_ =	shalt  }

</sc_bundles>
